<compile_context>
chip_gen: v7x
topology: tpu7x:2x2x1
jax: 0.10.2.dev20260603
libtpu: 0.0.44.dev20260713+nightly
codegen_flags: <defaults>
</compile_context>

<pallas_src>
import functools

import jax
import jax.numpy as jnp
from jax import lax
from jax.experimental import pallas as pl
from jax.experimental.pallas import tpu as pltpu
from jax.experimental.pallas import tpu_sc as plsc

_NC = 2
_NS = 16
_LANES = 16
_TILE = 128


def _deg_body(ei_hbm, ew_hbm, out_hbm, ei_v, ew_v, dst_f, eix_v, ewx_v,
              dstx_f, z_v, shared):
    c = lax.axis_index("c")
    s = lax.axis_index("s")
    epc = ei_v.shape[1]
    nx = eix_v.shape[1]
    n = z_v.shape[0]
    e_half = ei_hbm.shape[1] // _NC
    e_main = epc * _NS
    n_extra = (e_half - e_main) // nx
    sc_base = c * e_half

    pltpu.sync_copy(ei_hbm.at[:, pl.ds(sc_base + s * epc, epc)], ei_v)
    pltpu.sync_copy(ew_hbm.at[pl.ds(sc_base + s * epc, epc)], ew_v)

    @plsc.parallel_loop(0, epc, step=_LANES, unroll=8)
    def _(off):
        dst_f[pl.ds(off, _LANES)] = ei_v[1, pl.ds(off, _LANES)]

    @pl.when(s < n_extra)
    def _():
        xb = sc_base + e_main + s * nx
        pltpu.sync_copy(ei_hbm.at[:, pl.ds(xb, nx)], eix_v)
        pltpu.sync_copy(ew_hbm.at[pl.ds(xb, nx)], ewx_v)

        def flatx_body(i, carry):
            off = i * _LANES
            dstx_f[pl.ds(off, _LANES)] = eix_v[1, pl.ds(off, _LANES)]
            return carry

        lax.fori_loop(0, nx // _LANES, flatx_body, 0)

    @pl.when(s == 0)
    def _():
        @plsc.parallel_loop(0, n, step=_LANES, unroll=8)
        def _(off):
            z_v[pl.ds(off, _LANES)] = jnp.zeros((_LANES,), jnp.float32)

        pltpu.sync_copy(z_v, shared)

    plsc.subcore_barrier()
    pltpu.sync_copy(ew_v, shared.at[dst_f], add=True)

    @pl.when(s < n_extra)
    def _():
        pltpu.sync_copy(ewx_v, shared.at[dstx_f], add=True)

    plsc.subcore_barrier()

    @pl.when(s == 0)
    def _():
        pltpu.sync_copy(shared, out_hbm.at[c])


def _edge_body(ei_hbm, ew_hbm, u_hbm, v_hbm, out_hbm,
               ei_v, ew_v, eix_v, ewx_v, u_tab, v_tab, acc_v):
    c = lax.axis_index("c")
    s = lax.axis_index("s")
    epc = ei_v.shape[1]
    nx = eix_v.shape[1]
    n_pad = u_tab.shape[0]
    e_main = epc * _NS
    n_extra = (ei_hbm.shape[1] - e_main) // nx

    pltpu.sync_copy(ei_hbm.at[:, pl.ds(s * epc, epc)], ei_v)
    pltpu.sync_copy(ew_hbm.at[pl.ds(s * epc, epc)], ew_v)
    pltpu.sync_copy(u_hbm, u_tab)
    pltpu.sync_copy(v_hbm, v_tab)

    @pl.when(s < n_extra)
    def _():
        pltpu.sync_copy(ei_hbm.at[:, pl.ds(e_main + s * nx, nx)], eix_v)
        pltpu.sync_copy(ew_hbm.at[pl.ds(e_main + s * nx, nx)], ewx_v)

    half = epc // 2
    loc = c * half
    zero16 = jnp.zeros((_LANES,), jnp.float32)

    @plsc.parallel_loop(0, half, step=_LANES, unroll=8,
                        carry=(zero16,) * 8)
    def accs(i, carry):
        off = loc + i
        s16 = ei_v[0, pl.ds(off, _LANES)]
        d16 = ei_v[1, pl.ds(off, _LANES)]
        e16 = ew_v[pl.ds(off, _LANES)]
        us = plsc.load_gather(u_tab, [s16])
        vd = plsc.load_gather(v_tab, [d16])
        return carry[1:] + (carry[0] + e16 * us * vd,)

    acc = ((accs[0] + accs[1]) + (accs[2] + accs[3])) + (
        (accs[4] + accs[5]) + (accs[6] + accs[7]))

    halfx = nx // 2
    locx = c * halfx

    def edgex_body(i, a):
        off = locx + i * _LANES
        s16 = eix_v[0, pl.ds(off, _LANES)]
        d16 = eix_v[1, pl.ds(off, _LANES)]
        e16 = ewx_v[pl.ds(off, _LANES)]
        us = plsc.load_gather(u_tab, [s16])
        vd = plsc.load_gather(v_tab, [d16])
        return a + e16 * us * vd

    accx = lax.cond(s < n_extra,
                    lambda a: lax.fori_loop(0, halfx // _LANES, edgex_body, a),
                    lambda a: a, zero16)

    wid = s * _NC + c
    per = n_pad // (_NC * _NS)
    sbase = wid * per

    @plsc.parallel_loop(0, per, step=_LANES, unroll=4, carry=zero16)
    def accself(off, a):
        o = sbase + off
        return a + u_tab[pl.ds(o, _LANES)] * v_tab[pl.ds(o, _LANES)]

    acc_v[...] = acc + (accx + accself)
    pltpu.sync_copy(acc_v, out_hbm.at[wid])


def _uv_body(deg2_ref, y_ref, u_ref, v_ref):
    n = deg2_ref.shape[1]
    n_pad = y_ref.shape[0]
    deg = deg2_ref[0:1, :] + deg2_ref[1:2, :] + 1.0
    dinv = lax.rsqrt(deg)
    y0 = y_ref[...][0:n][None, :]
    pad = jnp.zeros((n_pad - n,), jnp.float32)
    u = y0 * dinv * (1.0 / n)
    u_ref[...] = jnp.concatenate([jnp.reshape(u, (n,)), pad])
    v_ref[...] = jnp.concatenate([jnp.reshape(dinv, (n,)), pad])


def _dense_body(q_ref, role_ref, llm_ref, wenc_ref, benc_ref, wgcn_ref,
                bgcn_ref, whead_ref, bhead_ref, y_ref, bias_ref):
    i = pl.program_id(0)
    d = q_ref.shape[1]
    rows = role_ref.shape[0]
    qb = jnp.broadcast_to(q_ref[...], (rows, d))
    rql = jnp.concatenate([role_ref[...], llm_ref[...], qb], axis=1)
    rql = (jnp.dot(rql, wenc_ref[...], preferred_element_type=jnp.float32)
           + benc_ref[...][None, :])
    nrm = jnp.sqrt(jnp.sum(rql * rql, axis=1, keepdims=True))
    rqln = rql / jnp.maximum(nrm, 1e-12)
    xw = jnp.dot(rqln, wgcn_ref[...], preferred_element_type=jnp.float32)
    y = jnp.dot(xw, whead_ref[...], preferred_element_type=jnp.float32)
    y_ref[...] = jnp.reshape(y, (y_ref.shape[0],))

    @pl.when(i == 0)
    def _():
        bias_ref[...] = jnp.reshape(
            jnp.sum(bgcn_ref[...] * whead_ref[...][:, 0])
            + jnp.sum(bhead_ref[...]), (1, 1))


def kernel(query_embedding, selected_role_embedding, selected_llm_embedding,
           selected_edge_index, selected_edge_embedding,
           W_enc, b_enc, W_gcn, b_gcn, W_head, b_head):
    n, d = selected_role_embedding.shape
    e = selected_edge_index.shape[1]
    nw = _NC * _NS
    assert n % _LANES == 0
    ew = selected_edge_embedding
    ei = selected_edge_index

    e_half = e // _NC
    epc_a = (e_half // (_NS * _TILE)) * _TILE
    nxa = _TILE
    n_extra_a = (e_half - epc_a * _NS) // nxa
    assert epc_a * _NS + n_extra_a * nxa == e_half and n_extra_a <= _NS
    assert epc_a % _LANES == 0

    mesh = plsc.VectorSubcoreMesh(core_axis_name="c", subcore_axis_name="s",
                                  num_cores=_NC, num_subcores=_NS)
    deg_kernel = functools.partial(
        pl.kernel,
        mesh=mesh,
        compiler_params=pltpu.CompilerParams(needs_layout_passes=False),
        out_type=jax.ShapeDtypeStruct((_NC, n), jnp.float32),
        scratch_types=[
            pltpu.VMEM((2, epc_a), jnp.int32),
            pltpu.VMEM((epc_a,), jnp.float32),
            pltpu.VMEM((epc_a,), jnp.int32),
            pltpu.VMEM((2, nxa), jnp.int32),
            pltpu.VMEM((nxa,), jnp.float32),
            pltpu.VMEM((nxa,), jnp.int32),
            pltpu.VMEM((n,), jnp.float32),
            pltpu.VMEM_SHARED((n,), jnp.float32),
        ],
    )(_deg_body)
    deg2n = deg_kernel(ei, ew)

    rows = 1024
    grid = (pl.cdiv(n, rows),)
    n_pad = grid[0] * rows
    assert n_pad % nw == 0 and (n_pad // nw) % _LANES == 0
    dspec = pl.BlockSpec((rows, d), lambda i: (i, 0))
    y1d, bias = pl.pallas_call(
        _dense_body,
        grid=grid,
        in_specs=[
            pl.BlockSpec((1, d), lambda i: (0, 0)),
            dspec,
            dspec,
            pl.BlockSpec((3 * d, d), lambda i: (0, 0)),
            pl.BlockSpec((d,), lambda i: (0,)),
            pl.BlockSpec((d, d), lambda i: (0, 0)),
            pl.BlockSpec((d,), lambda i: (0,)),
            pl.BlockSpec((d, 1), lambda i: (0, 0)),
            pl.BlockSpec((1,), lambda i: (0,)),
        ],
        out_specs=[
            pl.BlockSpec((rows,), lambda i: (i,)),
            pl.BlockSpec((1, 1), lambda i: (0, 0)),
        ],
        out_shape=[
            jax.ShapeDtypeStruct((n_pad,), jnp.float32),
            jax.ShapeDtypeStruct((1, 1), jnp.float32),
        ],
    )(query_embedding, selected_role_embedding, selected_llm_embedding,
      W_enc, b_enc, W_gcn, b_gcn, W_head, b_head)

    u_pad, v_pad = pl.pallas_call(
        _uv_body,
        out_shape=[
            jax.ShapeDtypeStruct((n_pad,), jnp.float32),
            jax.ShapeDtypeStruct((n_pad,), jnp.float32),
        ],
    )(deg2n, y1d)

    epc_b = (e // (_NS * _TILE)) * _TILE
    nxb = _TILE
    n_extra_b = (e - epc_b * _NS) // nxb
    assert epc_b * _NS + n_extra_b * nxb == e and n_extra_b <= _NS
    assert epc_b % (2 * _LANES) == 0 and nxb % (2 * _LANES) == 0

    edge_kernel = functools.partial(
        pl.kernel,
        mesh=mesh,
        compiler_params=pltpu.CompilerParams(needs_layout_passes=False),
        out_type=jax.ShapeDtypeStruct((nw, _LANES), jnp.float32),
        scratch_types=[
            pltpu.VMEM((2, epc_b), jnp.int32),
            pltpu.VMEM((epc_b,), jnp.float32),
            pltpu.VMEM((2, nxb), jnp.int32),
            pltpu.VMEM((nxb,), jnp.float32),
            pltpu.VMEM((n_pad,), jnp.float32),
            pltpu.VMEM((n_pad,), jnp.float32),
            pltpu.VMEM((_LANES,), jnp.float32),
        ],
    )(_edge_body)
    parts = edge_kernel(ei, ew, u_pad, v_pad)

    state = jnp.sum(parts) + bias[0, 0]
    return jnp.reshape(state, (1,))

# --- scband reference (transcript-rebuilt; emitter-appended) ---
"""Pipeline reference for scband-critic-model-91070486545014 (READ-ONLY COPY).

The authoritative reference and input builder live on the scoring server;
editing this copy changes nothing except your own understanding.
"""

import jax, jax.numpy as jnp
import numpy as np

N = 10000
E = 320000
D = 128
H = 128


def setup_inputs(seed: int = 0) -> dict:
    key = jax.random.key(seed)
    ks = jax.random.split(key, 12)
    return {
        "query_embedding": jax.random.normal(ks[0], (1, D), dtype=jnp.float32),
        "selected_role_embedding": jax.random.normal(ks[1], (N, D), dtype=jnp.float32),
        "selected_llm_embedding": jax.random.normal(ks[2], (N, D), dtype=jnp.float32),
        "selected_edge_index": jax.random.randint(ks[3], (2, E), 0, N, dtype=jnp.int32),
        "selected_edge_embedding": jax.random.uniform(ks[4], (E,), dtype=jnp.float32),
        # learned params (torch Linear stored as [in, out] here)
        "W_enc": jax.random.normal(ks[5], (3 * D, D), dtype=jnp.float32) * 0.02,
        "b_enc": jnp.zeros((D,), dtype=jnp.float32),
        "W_gcn": jax.random.normal(ks[6], (D, H), dtype=jnp.float32) * 0.02,
        "b_gcn": jnp.zeros((H,), dtype=jnp.float32),
        "W_head": jax.random.normal(ks[7], (H, 1), dtype=jnp.float32) * 0.02,
        "b_head": jnp.zeros((1,), dtype=jnp.float32),
    }


def _gcn_conv(x, edge_index, edge_weight, W, b):
    n = x.shape[0]
    src = edge_index[0]
    dst = edge_index[1]
    # add self loops (PyG GCNConv default, fill_value=1.0)
    loop = jnp.arange(n, dtype=src.dtype)
    src = jnp.concatenate([src, loop])
    dst = jnp.concatenate([dst, loop])
    ew = jnp.concatenate([edge_weight, jnp.ones((n,), dtype=edge_weight.dtype)])
    # symmetric gcn_norm
    deg = jax.ops.segment_sum(ew, dst, num_segments=n)
    dinv = jnp.where(deg > 0, jax.lax.rsqrt(deg), 0.0)
    norm = dinv[src] * ew * dinv[dst]
    xw = x @ W
    msg = norm[:, None] * jnp.take(xw, src, axis=0)
    out = jax.ops.segment_sum(msg, dst, num_segments=n)
    return out + b


def reference(query_embedding, selected_role_embedding, selected_llm_embedding,
              selected_edge_index, selected_edge_embedding,
              W_enc, b_enc, W_gcn, b_gcn, W_head, b_head):
    num_sel = selected_role_embedding.shape[0]
    q = jnp.broadcast_to(query_embedding, (num_sel, query_embedding.shape[-1]))
    rql = jnp.concatenate([selected_role_embedding, selected_llm_embedding, q], axis=-1)
    rql = rql @ W_enc + b_enc
    # F.normalize(p=2, dim=-1)
    nrm = jnp.sqrt(jnp.sum(rql * rql, axis=-1, keepdims=True))
    rql = rql / jnp.maximum(nrm, 1e-12)
    g = _gcn_conv(rql, selected_edge_index, selected_edge_embedding, W_gcn, b_gcn)
    g = jnp.mean(g, axis=0, keepdims=True)
    state_value = (g @ W_head + b_head).squeeze(-1)
    return state_value

if __name__ == "__main__":
    import jax
    _d = setup_inputs()
    print(jax.jit(kernel)(*tuple(_d.values())))

</pallas_src>

<mosaic_0001>
#map = affine_map<(d0, d1) -> (0, 0)>
#map1 = affine_map<(d0, d1) -> (0)>
module attributes {stable_mosaic.version = 14 : i64} {
  func.func @_deg_body(%arg0: i32, %arg1: i32, %arg2: memref<2x320000xi32, #tpu.memory_space<hbm>>, %arg3: memref<320000xf32, #tpu.memory_space<hbm>>, %arg4: memref<2x10000xf32, #tpu.memory_space<hbm>>, %arg5: memref<2x9984xi32, #tpu.memory_space<vmem>>, %arg6: memref<9984xf32, #tpu.memory_space<vmem>>, %arg7: memref<9984xi32, #tpu.memory_space<vmem>>, %arg8: memref<2x128xi32, #tpu.memory_space<vmem>>, %arg9: memref<128xf32, #tpu.memory_space<vmem>>, %arg10: memref<128xi32, #tpu.memory_space<vmem>>, %arg11: memref<10000xf32, #tpu.memory_space<vmem>>, %arg12: memref<10000xf32, #tpu.memory_space<vmem_shared>>) attributes {dimension_semantics = [#tpu.dimension_semantics<core_parallel>, #tpu.dimension_semantics<subcore_parallel>], iteration_bounds = array<i64: 2, 16>, scalar_prefetch = 0 : i64, scratch_operands = 8 : i64, tpu.core_type = #tpu.core_type<sc_vector_subcore>, window_params = [{transform_indices = #map}, {transform_indices = #map1}, {transform_indices = #map}]} {
    %mul3A = arith.constant 160000 : i32
    %mul3A_0 = arith.muli %arg0, %mul3A : i32
    %mul3A_1 = arith.constant 9984 : i32
    %mul3A_2 = arith.muli %arg1, %mul3A_1 : i32
    %add3A = arith.addi %mul3A_0, %mul3A_2 : i32
    "tpu.region"() ({
      %run_scoped3A = tpu.sem_alloc : memref<!tpu.dma_semaphore, #tpu.memory_space<semaphore_mem>>
      %dma_start3A = arith.constant 0 : i32
      %dma_start3A_25 = tpu.memref_slice %arg2[%dma_start3A, %add3A] : memref<2x320000xi32, #tpu.memory_space<hbm>> -> memref<2x9984xi32, #tpu.memory_space<hbm>>
      %dma_start3A_26 = arith.constant 0 : i32
      %dma_start3A_27 = tpu.memref_slice %arg2[%dma_start3A_26, %add3A] : memref<2x320000xi32, #tpu.memory_space<hbm>> -> memref<2x9984xi32, #tpu.memory_space<hbm>>
      tpu.enqueue_dma source(%dma_start3A_27 : memref<2x9984xi32, #tpu.memory_space<hbm>>) target(%arg5 : memref<2x9984xi32, #tpu.memory_space<vmem>>) target_semaphore(%run_scoped3A : memref<!tpu.dma_semaphore, #tpu.memory_space<semaphore_mem>>)
      %dma_wait3A = arith.constant 0 : i32
      %dma_wait3A_28 = tpu.memref_slice %arg2[%dma_wait3A, %add3A] : memref<2x320000xi32, #tpu.memory_space<hbm>> -> memref<2x9984xi32, #tpu.memory_space<hbm>>
      %dma_wait3A_29 = arith.constant 0 : i32
      %dma_wait3A_30 = tpu.memref_slice %arg2[%dma_wait3A_29, %add3A] : memref<2x320000xi32, #tpu.memory_space<hbm>> -> memref<2x9984xi32, #tpu.memory_space<hbm>>
      tpu.wait_dma2 semaphore(%run_scoped3A : memref<!tpu.dma_semaphore, #tpu.memory_space<semaphore_mem>>) src(%dma_wait3A_30 : memref<2x9984xi32, #tpu.memory_space<hbm>>) dst(%arg5 : memref<2x9984xi32, #tpu.memory_space<vmem>>)
      tpu.yield
    }) : () -> ()
    %mul3A_3 = arith.constant 9984 : i32
    %mul3A_4 = arith.muli %arg1, %mul3A_3 : i32
    %add3A_5 = arith.addi %mul3A_0, %mul3A_4 : i32
    "tpu.region"() ({
      %run_scoped3A = tpu.sem_alloc : memref<!tpu.dma_semaphore, #tpu.memory_space<semaphore_mem>>
      %dma_start3A = tpu.memref_slice %arg3[%add3A_5] : memref<320000xf32, #tpu.memory_space<hbm>> -> memref<9984xf32, #tpu.memory_space<hbm>>
      %dma_start3A_25 = tpu.memref_slice %arg3[%add3A_5] : memref<320000xf32, #tpu.memory_space<hbm>> -> memref<9984xf32, #tpu.memory_space<hbm>>
      tpu.enqueue_dma source(%dma_start3A_25 : memref<9984xf32, #tpu.memory_space<hbm>>) target(%arg6 : memref<9984xf32, #tpu.memory_space<vmem>>) target_semaphore(%run_scoped3A : memref<!tpu.dma_semaphore, #tpu.memory_space<semaphore_mem>>)
      %dma_wait3A = tpu.memref_slice %arg3[%add3A_5] : memref<320000xf32, #tpu.memory_space<hbm>> -> memref<9984xf32, #tpu.memory_space<hbm>>
      %dma_wait3A_26 = tpu.memref_slice %arg3[%add3A_5] : memref<320000xf32, #tpu.memory_space<hbm>> -> memref<9984xf32, #tpu.memory_space<hbm>>
      tpu.wait_dma2 semaphore(%run_scoped3A : memref<!tpu.dma_semaphore, #tpu.memory_space<semaphore_mem>>) src(%dma_wait3A_26 : memref<9984xf32, #tpu.memory_space<hbm>>) dst(%arg6 : memref<9984xf32, #tpu.memory_space<vmem>>)
      tpu.yield
    }) : () -> ()
    %parallel_loop3A = arith.constant 0 : i32
    %parallel_loop3A_6 = arith.constant 9984 : i32
    %parallel_loop3A_7 = arith.constant 16 : i32
    scf.for %parallel_loop3A_25 = %parallel_loop3A to %parallel_loop3A_6 step %parallel_loop3A_7  : i32 {
      %parallel_loop3A_26 = arith.constant 1 : i32
      %parallel_loop3A_27 = arith.index_cast %parallel_loop3A_26 : i32 to index
      %parallel_loop3A_28 = arith.index_cast %parallel_loop3A_25 : i32 to index
      %parallel_loop3A_29 = tpu.vector_load %arg5[%parallel_loop3A_27, %parallel_loop3A_28] {strides = array<i32>} : memref<2x9984xi32, #tpu.memory_space<vmem>>, vector<16xi32>,
      %parallel_loop3A_30 = arith.index_cast %parallel_loop3A_25 : i32 to index
      %parallel_loop3A_31 = tpu.vector_load %arg7[%parallel_loop3A_30] {strides = array<i32>} : memref<9984xi32, #tpu.memory_space<vmem>>, vector<16xi32>,
      tpu.vector_store %arg7[%parallel_loop3A_30], %parallel_loop3A_29 {strides = array<i32>} : memref<9984xi32, #tpu.memory_space<vmem>>, vector<16xi32>,
    } {sc.loop_unroll_factor = 8 : i64, sc.parallel_access}
    %lt3A = arith.constant 2 : i32
    %lt3A_8 = arith.cmpi slt, %arg1, %lt3A : i32
    %convert_element_type3A = arith.extui %lt3A_8 : i1 to i32
    %cond3A = arith.constant 0 : i32
    %cond3A_9 = arith.cmpi ne, %convert_element_type3A, %cond3A : i32
    scf.if %cond3A_9 {
      %add3A_25 = arith.constant 159744 : i32
      %add3A_26 = arith.addi %mul3A_0, %add3A_25 : i32
      %mul3A_27 = arith.constant 128 : i32
      %mul3A_28 = arith.muli %arg1, %mul3A_27 : i32
      %add3A_29 = arith.addi %add3A_26, %mul3A_28 : i32
      "tpu.region"() ({
        %run_scoped3A = tpu.sem_alloc : memref<!tpu.dma_semaphore, #tpu.memory_space<semaphore_mem>>
        %dma_start3A = arith.constant 0 : i32
        %dma_start3A_35 = tpu.memref_slice %arg2[%dma_start3A, %add3A_29] : memref<2x320000xi32, #tpu.memory_space<hbm>> -> memref<2x128xi32, #tpu.memory_space<hbm>>
        %dma_start3A_36 = arith.constant 0 : i32
        %dma_start3A_37 = tpu.memref_slice %arg2[%dma_start3A_36, %add3A_29] : memref<2x320000xi32, #tpu.memory_space<hbm>> -> memref<2x128xi32, #tpu.memory_space<hbm>>
        tpu.enqueue_dma source(%dma_start3A_37 : memref<2x128xi32, #tpu.memory_space<hbm>>) target(%arg8 : memref<2x128xi32, #tpu.memory_space<vmem>>) target_semaphore(%run_scoped3A : memref<!tpu.dma_semaphore, #tpu.memory_space<semaphore_mem>>)
        %dma_wait3A = arith.constant 0 : i32
        %dma_wait3A_38 = tpu.memref_slice %arg2[%dma_wait3A, %add3A_29] : memref<2x320000xi32, #tpu.memory_space<hbm>> -> memref<2x128xi32, #tpu.memory_space<hbm>>
        %dma_wait3A_39 = arith.constant 0 : i32
        %dma_wait3A_40 = tpu.memref_slice %arg2[%dma_wait3A_39, %add3A_29] : memref<2x320000xi32, #tpu.memory_space<hbm>> -> memref<2x128xi32, #tpu.memory_space<hbm>>
        tpu.wait_dma2 semaphore(%run_scoped3A : memref<!tpu.dma_semaphore, #tpu.memory_space<semaphore_mem>>) src(%dma_wait3A_40 : memref<2x128xi32, #tpu.memory_space<hbm>>) dst(%arg8 : memref<2x128xi32, #tpu.memory_space<vmem>>)
        tpu.yield
      }) : () -> ()
      "tpu.region"() ({
        %run_scoped3A = tpu.sem_alloc : memref<!tpu.dma_semaphore, #tpu.memory_space<semaphore_mem>>
        %dma_start3A = tpu.memref_slice %arg3[%add3A_29] : memref<320000xf32, #tpu.memory_space<hbm>> -> memref<128xf32, #tpu.memory_space<hbm>>
        %dma_start3A_35 = tpu.memref_slice %arg3[%add3A_29] : memref<320000xf32, #tpu.memory_space<hbm>> -> memref<128xf32, #tpu.memory_space<hbm>>
        tpu.enqueue_dma source(%dma_start3A_35 : memref<128xf32, #tpu.memory_space<hbm>>) target(%arg9 : memref<128xf32, #tpu.memory_space<vmem>>) target_semaphore(%run_scoped3A : memref<!tpu.dma_semaphore, #tpu.memory_space<semaphore_mem>>)
        %dma_wait3A = tpu.memref_slice %arg3[%add3A_29] : memref<320000xf32, #tpu.memory_space<hbm>> -> memref<128xf32, #tpu.memory_space<hbm>>
        %dma_wait3A_36 = tpu.memref_slice %arg3[%add3A_29] : memref<320000xf32, #tpu.memory_space<hbm>> -> memref<128xf32, #tpu.memory_space<hbm>>
        tpu.wait_dma2 semaphore(%run_scoped3A : memref<!tpu.dma_semaphore, #tpu.memory_space<semaphore_mem>>) src(%dma_wait3A_36 : memref<128xf32, #tpu.memory_space<hbm>>) dst(%arg9 : memref<128xf32, #tpu.memory_space<vmem>>)
        tpu.yield
      }) : () -> ()
      %scan3A = arith.constant 0 : i32
      %scan3A_30 = arith.constant 0 : i32
      %scan3A_31 = arith.constant 8 : i32
      %scan3A_32 = arith.addi %scan3A_30, %scan3A_31 : i32
      %scan3A_33 = arith.constant 1 : i32
      scf.for %scan3A_35 = %scan3A_30 to %scan3A_32 step %scan3A_33  : i32 {
        %mul3A_36 = arith.constant 16 : i32
        %mul3A_37 = arith.muli %scan3A_35, %mul3A_36 : i32
        %get3A = arith.constant 1 : i32
        %get3A_38 = arith.index_cast %get3A : i32 to index
        %get3A_39 = arith.index_cast %mul3A_37 : i32 to index
        %get3A_40 = tpu.vector_load %arg8[%get3A_38, %get3A_39] {strides = array<i32>} : memref<2x128xi32, #tpu.memory_space<vmem>>, vector<16xi32>,
        %swap3A = arith.index_cast %mul3A_37 : i32 to index
        %swap3A_41 = tpu.vector_load %arg10[%swap3A] {strides = array<i32>} : memref<128xi32, #tpu.memory_space<vmem>>, vector<16xi32>,
        tpu.vector_store %arg10[%swap3A], %get3A_40 {strides = array<i32>} : memref<128xi32, #tpu.memory_space<vmem>>, vector<16xi32>,
      }
      %scan3A_34 = arith.constant 8 : i32
    } else {
    }
    %eq3A = arith.constant 0 : i32
    %eq3A_10 = arith.cmpi eq, %arg1, %eq3A : i32
    %convert_element_type3A_11 = arith.extui %eq3A_10 : i1 to i32
    %cond3A_12 = arith.constant 0 : i32
    %cond3A_13 = arith.cmpi ne, %convert_element_type3A_11, %cond3A_12 : i32
    scf.if %cond3A_13 {
      %parallel_loop3A_25 = arith.constant 0 : i32
      %parallel_loop3A_26 = arith.constant 10000 : i32
      %parallel_loop3A_27 = arith.constant 16 : i32
      scf.for %parallel_loop3A_28 = %parallel_loop3A_25 to %parallel_loop3A_26 step %parallel_loop3A_27  : i32 {
        %parallel_loop3A_29 = arith.constant 0.000000e+00 : f32
        %parallel_loop3A_30 = vector.broadcast %parallel_loop3A_29 : f32 to vector<16xf32>
        %parallel_loop3A_31 = arith.index_cast %parallel_loop3A_28 : i32 to index
        %parallel_loop3A_32 = tpu.vector_load %arg11[%parallel_loop3A_31] {strides = array<i32>} : memref<10000xf32, #tpu.memory_space<vmem>>, vector<16xf32>,
        tpu.vector_store %arg11[%parallel_loop3A_31], %parallel_loop3A_30 {strides = array<i32>} : memref<10000xf32, #tpu.memory_space<vmem>>, vector<16xf32>,
      } {sc.loop_unroll_factor = 8 : i64, sc.parallel_access}
      "tpu.region"() ({
        %run_scoped3A = tpu.sem_alloc : memref<!tpu.dma_semaphore, #tpu.memory_space<semaphore_mem>>
        tpu.enqueue_dma source(%arg11 : memref<10000xf32, #tpu.memory_space<vmem>>) target(%arg12 : memref<10000xf32, #tpu.memory_space<vmem_shared>>) target_semaphore(%run_scoped3A : memref<!tpu.dma_semaphore, #tpu.memory_space<semaphore_mem>>)
        tpu.wait_dma2 semaphore(%run_scoped3A : memref<!tpu.dma_semaphore, #tpu.memory_space<semaphore_mem>>) src(%arg11 : memref<10000xf32, #tpu.memory_space<vmem>>) dst(%arg12 : memref<10000xf32, #tpu.memory_space<vmem_shared>>)
        tpu.yield
      }) : () -> ()
    } else {
    }
    %barrier3A = arith.constant 0 : index
    tpu.barrier barrier_id(%barrier3A)
    "tpu.region"() ({
      %run_scoped3A = tpu.sem_alloc : memref<!tpu.dma_semaphore, #tpu.memory_space<semaphore_mem>>
      %dma_start3A = arith.constant 0 : i32
      %dma_start3A_25 = tpu.memref_slice %arg12[%dma_start3A] : memref<10000xf32, #tpu.memory_space<vmem_shared>> -> memref<10000xf32, #tpu.memory_space<vmem_shared>>
      tpu.enqueue_indirect_dma source(%arg6 : memref<9984xf32, #tpu.memory_space<vmem>>) target(%dma_start3A_25 : memref<10000xf32, #tpu.memory_space<vmem_shared>>) offsets(%arg7 : memref<9984xi32, #tpu.memory_space<vmem>>) semaphore(%run_scoped3A : memref<!tpu.dma_semaphore, #tpu.memory_space<semaphore_mem>>) {add = true}
      %dma_wait3A = arith.constant 0 : i32
      %dma_wait3A_26 = tpu.memref_slice %arg12[%dma_wait3A] : memref<10000xf32, #tpu.memory_space<vmem_shared>> -> memref<10000xf32, #tpu.memory_space<vmem_shared>>
      tpu.wait_indirect_dma semaphore(%run_scoped3A : memref<!tpu.dma_semaphore, #tpu.memory_space<semaphore_mem>>) src(%arg6 : memref<9984xf32, #tpu.memory_space<vmem>>) dst(%dma_wait3A_26 : memref<10000xf32, #tpu.memory_space<vmem_shared>>)
      tpu.yield
    }) : () -> ()
    %lt3A_14 = arith.constant 2 : i32
    %lt3A_15 = arith.cmpi slt, %arg1, %lt3A_14 : i32
    %convert_element_type3A_16 = arith.extui %lt3A_15 : i1 to i32
    %cond3A_17 = arith.constant 0 : i32
    %cond3A_18 = arith.cmpi ne, %convert_element_type3A_16, %cond3A_17 : i32
    scf.if %cond3A_18 {
      "tpu.region"() ({
        %run_scoped3A = tpu.sem_alloc : memref<!tpu.dma_semaphore, #tpu.memory_space<semaphore_mem>>
        %dma_start3A = arith.constant 0 : i32
        %dma_start3A_25 = tpu.memref_slice %arg12[%dma_start3A] : memref<10000xf32, #tpu.memory_space<vmem_shared>> -> memref<10000xf32, #tpu.memory_space<vmem_shared>>
        tpu.enqueue_indirect_dma source(%arg9 : memref<128xf32, #tpu.memory_space<vmem>>) target(%dma_start3A_25 : memref<10000xf32, #tpu.memory_space<vmem_shared>>) offsets(%arg10 : memref<128xi32, #tpu.memory_space<vmem>>) semaphore(%run_scoped3A : memref<!tpu.dma_semaphore, #tpu.memory_space<semaphore_mem>>) {add = true}
        %dma_wait3A = arith.constant 0 : i32
        %dma_wait3A_26 = tpu.memref_slice %arg12[%dma_wait3A] : memref<10000xf32, #tpu.memory_space<vmem_shared>> -> memref<10000xf32, #tpu.memory_space<vmem_shared>>
        tpu.wait_indirect_dma semaphore(%run_scoped3A : memref<!tpu.dma_semaphore, #tpu.memory_space<semaphore_mem>>) src(%arg9 : memref<128xf32, #tpu.memory_space<vmem>>) dst(%dma_wait3A_26 : memref<10000xf32, #tpu.memory_space<vmem_shared>>)
        tpu.yield
      }) : () -> ()
    } else {
    }
    %barrier3A_19 = arith.constant 0 : index
    tpu.barrier barrier_id(%barrier3A_19)
    %eq3A_20 = arith.constant 0 : i32
    %eq3A_21 = arith.cmpi eq, %arg1, %eq3A_20 : i32
    %convert_element_type3A_22 = arith.extui %eq3A_21 : i1 to i32
    %cond3A_23 = arith.constant 0 : i32
    %cond3A_24 = arith.cmpi ne, %convert_element_type3A_22, %cond3A_23 : i32
    scf.if %cond3A_24 {
      "tpu.region"() ({
        %run_scoped3A = tpu.sem_alloc : memref<!tpu.dma_semaphore, #tpu.memory_space<semaphore_mem>>
        %dma_start3A = arith.constant 0 : i32
        %dma_start3A_25 = tpu.memref_slice %arg4[%arg0, %dma_start3A] : memref<2x10000xf32, #tpu.memory_space<hbm>> -> memref<1x10000xf32, #tpu.memory_space<hbm>>
        %dma_start3A_26 = tpu.memref_squeeze %dma_start3A_25 : memref<1x10000xf32, #tpu.memory_space<hbm>> -> memref<10000xf32, #tpu.memory_space<hbm>>
        tpu.enqueue_dma source(%arg12 : memref<10000xf32, #tpu.memory_space<vmem_shared>>) target(%dma_start3A_26 : memref<10000xf32, #tpu.memory_space<hbm>>) target_semaphore(%run_scoped3A : memref<!tpu.dma_semaphore, #tpu.memory_space<semaphore_mem>>)
        %dma_wait3A = arith.constant 0 : i32
        %dma_wait3A_27 = tpu.memref_slice %arg4[%arg0, %dma_wait3A] : memref<2x10000xf32, #tpu.memory_space<hbm>> -> memref<1x10000xf32, #tpu.memory_space<hbm>>
        %dma_wait3A_28 = tpu.memref_squeeze %dma_wait3A_27 : memref<1x10000xf32, #tpu.memory_space<hbm>> -> memref<10000xf32, #tpu.memory_space<hbm>>
        tpu.wait_dma2 semaphore(%run_scoped3A : memref<!tpu.dma_semaphore, #tpu.memory_space<semaphore_mem>>) src(%arg12 : memref<10000xf32, #tpu.memory_space<vmem_shared>>) dst(%dma_wait3A_28 : memref<10000xf32, #tpu.memory_space<hbm>>)
        tpu.yield
      }) : () -> ()
    } else {
    }
    return
  }
}

#map = affine_map<(d0, d1) -> (0, 0)>
#map1 = affine_map<(d0, d1) -> (0)>
module attributes {stable_mosaic.version = 14 : i64} {
  func.func @_edge_body(%arg0: i32, %arg1: i32, %arg2: memref<2x320000xi32, #tpu.memory_space<hbm>>, %arg3: memref<320000xf32, #tpu.memory_space<hbm>>, %arg4: memref<10240xf32, #tpu.memory_space<hbm>>, %arg5: memref<10240xf32, #tpu.memory_space<hbm>>, %arg6: memref<32x16xf32, #tpu.memory_space<hbm>>, %arg7: memref<2x19968xi32, #tpu.memory_space<vmem>>, %arg8: memref<19968xf32, #tpu.memory_space<vmem>>, %arg9: memref<2x128xi32, #tpu.memory_space<vmem>>, %arg10: memref<128xf32, #tpu.memory_space<vmem>>, %arg11: memref<10240xf32, #tpu.memory_space<vmem>>, %arg12: memref<10240xf32, #tpu.memory_space<vmem>>, %arg13: memref<16xf32, #tpu.memory_space<vmem>>) attributes {dimension_semantics = [#tpu.dimension_semantics<core_parallel>, #tpu.dimension_semantics<subcore_parallel>], iteration_bounds = array<i64: 2, 16>, scalar_prefetch = 0 : i64, scratch_operands = 7 : i64, tpu.core_type = #tpu.core_type<sc_vector_subcore>, window_params = [{transform_indices = #map}, {transform_indices = #map1}, {transform_indices = #map1}, {transform_indices = #map1}, {transform_indices = #map}]} {
    %mul3A = arith.constant 19968 : i32
    %mul3A_0 = arith.muli %arg1, %mul3A : i32
    "tpu.region"() ({
      %run_scoped3A = tpu.sem_alloc : memref<!tpu.dma_semaphore, #tpu.memory_space<semaphore_mem>>
      %dma_start3A = arith.constant 0 : i32
      %dma_start3A_37 = tpu.memref_slice %arg2[%dma_start3A, %mul3A_0] : memref<2x320000xi32, #tpu.memory_space<hbm>> -> memref<2x19968xi32, #tpu.memory_space<hbm>>
      %dma_start3A_38 = arith.constant 0 : i32
      %dma_start3A_39 = tpu.memref_slice %arg2[%dma_start3A_38, %mul3A_0] : memref<2x320000xi32, #tpu.memory_space<hbm>> -> memref<2x19968xi32, #tpu.memory_space<hbm>>
      tpu.enqueue_dma source(%dma_start3A_39 : memref<2x19968xi32, #tpu.memory_space<hbm>>) target(%arg7 : memref<2x19968xi32, #tpu.memory_space<vmem>>) target_semaphore(%run_scoped3A : memref<!tpu.dma_semaphore, #tpu.memory_space<semaphore_mem>>)
      %dma_wait3A = arith.constant 0 : i32
      %dma_wait3A_40 = tpu.memref_slice %arg2[%dma_wait3A, %mul3A_0] : memref<2x320000xi32, #tpu.memory_space<hbm>> -> memref<2x19968xi32, #tpu.memory_space<hbm>>
      %dma_wait3A_41 = arith.constant 0 : i32
      %dma_wait3A_42 = tpu.memref_slice %arg2[%dma_wait3A_41, %mul3A_0] : memref<2x320000xi32, #tpu.memory_space<hbm>> -> memref<2x19968xi32, #tpu.memory_space<hbm>>
      tpu.wait_dma2 semaphore(%run_scoped3A : memref<!tpu.dma_semaphore, #tpu.memory_space<semaphore_mem>>) src(%dma_wait3A_42 : memref<2x19968xi32, #tpu.memory_space<hbm>>) dst(%arg7 : memref<2x19968xi32, #tpu.memory_space<vmem>>)
      tpu.yield
    }) : () -> ()
    %mul3A_1 = arith.constant 19968 : i32
    %mul3A_2 = arith.muli %arg1, %mul3A_1 : i32
    "tpu.region"() ({
      %run_scoped3A = tpu.sem_alloc : memref<!tpu.dma_semaphore, #tpu.memory_space<semaphore_mem>>
      %dma_start3A = tpu.memref_slice %arg3[%mul3A_2] : memref<320000xf32, #tpu.memory_space<hbm>> -> memref<19968xf32, #tpu.memory_space<hbm>>
      %dma_start3A_37 = tpu.memref_slice %arg3[%mul3A_2] : memref<320000xf32, #tpu.memory_space<hbm>> -> memref<19968xf32, #tpu.memory_space<hbm>>
      tpu.enqueue_dma source(%dma_start3A_37 : memref<19968xf32, #tpu.memory_space<hbm>>) target(%arg8 : memref<19968xf32, #tpu.memory_space<vmem>>) target_semaphore(%run_scoped3A : memref<!tpu.dma_semaphore, #tpu.memory_space<semaphore_mem>>)
      %dma_wait3A = tpu.memref_slice %arg3[%mul3A_2] : memref<320000xf32, #tpu.memory_space<hbm>> -> memref<19968xf32, #tpu.memory_space<hbm>>
      %dma_wait3A_38 = tpu.memref_slice %arg3[%mul3A_2] : memref<320000xf32, #tpu.memory_space<hbm>> -> memref<19968xf32, #tpu.memory_space<hbm>>
      tpu.wait_dma2 semaphore(%run_scoped3A : memref<!tpu.dma_semaphore, #tpu.memory_space<semaphore_mem>>) src(%dma_wait3A_38 : memref<19968xf32, #tpu.memory_space<hbm>>) dst(%arg8 : memref<19968xf32, #tpu.memory_space<vmem>>)
      tpu.yield
    }) : () -> ()
    "tpu.region"() ({
      %run_scoped3A = tpu.sem_alloc : memref<!tpu.dma_semaphore, #tpu.memory_space<semaphore_mem>>
      tpu.enqueue_dma source(%arg4 : memref<10240xf32, #tpu.memory_space<hbm>>) target(%arg11 : memref<10240xf32, #tpu.memory_space<vmem>>) target_semaphore(%run_scoped3A : memref<!tpu.dma_semaphore, #tpu.memory_space<semaphore_mem>>)
      tpu.wait_dma2 semaphore(%run_scoped3A : memref<!tpu.dma_semaphore, #tpu.memory_space<semaphore_mem>>) src(%arg4 : memref<10240xf32, #tpu.memory_space<hbm>>) dst(%arg11 : memref<10240xf32, #tpu.memory_space<vmem>>)
      tpu.yield
    }) : () -> ()
    "tpu.region"() ({
      %run_scoped3A = tpu.sem_alloc : memref<!tpu.dma_semaphore, #tpu.memory_space<semaphore_mem>>
      tpu.enqueue_dma source(%arg5 : memref<10240xf32, #tpu.memory_space<hbm>>) target(%arg12 : memref<10240xf32, #tpu.memory_space<vmem>>) target_semaphore(%run_scoped3A : memref<!tpu.dma_semaphore, #tpu.memory_space<semaphore_mem>>)
      tpu.wait_dma2 semaphore(%run_scoped3A : memref<!tpu.dma_semaphore, #tpu.memory_space<semaphore_mem>>) src(%arg5 : memref<10240xf32, #tpu.memory_space<hbm>>) dst(%arg12 : memref<10240xf32, #tpu.memory_space<vmem>>)
      tpu.yield
    }) : () -> ()
    %lt3A = arith.constant 4 : i32
    %lt3A_3 = arith.cmpi slt, %arg1, %lt3A : i32
    %convert_element_type3A = arith.extui %lt3A_3 : i1 to i32
    %cond3A = arith.constant 0 : i32
    %cond3A_4 = arith.cmpi ne, %convert_element_type3A, %cond3A : i32
    scf.if %cond3A_4 {
      %mul3A_37 = arith.constant 128 : i32
      %mul3A_38 = arith.muli %arg1, %mul3A_37 : i32
      %add3A_39 = arith.constant 319488 : i32
      %add3A_40 = arith.addi %add3A_39, %mul3A_38 : i32
      "tpu.region"() ({
        %run_scoped3A = tpu.sem_alloc : memref<!tpu.dma_semaphore, #tpu.memory_space<semaphore_mem>>
        %dma_start3A = arith.constant 0 : i32
        %dma_start3A_45 = tpu.memref_slice %arg2[%dma_start3A, %add3A_40] : memref<2x320000xi32, #tpu.memory_space<hbm>> -> memref<2x128xi32, #tpu.memory_space<hbm>>
        %dma_start3A_46 = arith.constant 0 : i32
        %dma_start3A_47 = tpu.memref_slice %arg2[%dma_start3A_46, %add3A_40] : memref<2x320000xi32, #tpu.memory_space<hbm>> -> memref<2x128xi32, #tpu.memory_space<hbm>>
        tpu.enqueue_dma source(%dma_start3A_47 : memref<2x128xi32, #tpu.memory_space<hbm>>) target(%arg9 : memref<2x128xi32, #tpu.memory_space<vmem>>) target_semaphore(%run_scoped3A : memref<!tpu.dma_semaphore, #tpu.memory_space<semaphore_mem>>)
        %dma_wait3A = arith.constant 0 : i32
        %dma_wait3A_48 = tpu.memref_slice %arg2[%dma_wait3A, %add3A_40] : memref<2x320000xi32, #tpu.memory_space<hbm>> -> memref<2x128xi32, #tpu.memory_space<hbm>>
        %dma_wait3A_49 = arith.constant 0 : i32
        %dma_wait3A_50 = tpu.memref_slice %arg2[%dma_wait3A_49, %add3A_40] : memref<2x320000xi32, #tpu.memory_space<hbm>> -> memref<2x128xi32, #tpu.memory_space<hbm>>
        tpu.wait_dma2 semaphore(%run_scoped3A : memref<!tpu.dma_semaphore, #tpu.memory_space<semaphore_mem>>) src(%dma_wait3A_50 : memref<2x128xi32, #tpu.memory_space<hbm>>) dst(%arg9 : memref<2x128xi32, #tpu.memory_space<vmem>>)
        tpu.yield
      }) : () -> ()
      %mul3A_41 = arith.constant 128 : i32
      %mul3A_42 = arith.muli %arg1, %mul3A_41 : i32
      %add3A_43 = arith.constant 319488 : i32
      %add3A_44 = arith.addi %add3A_43, %mul3A_42 : i32
      "tpu.region"() ({
        %run_scoped3A = tpu.sem_alloc : memref<!tpu.dma_semaphore, #tpu.memory_space<semaphore_mem>>
        %dma_start3A = tpu.memref_slice %arg3[%add3A_44] : memref<320000xf32, #tpu.memory_space<hbm>> -> memref<128xf32, #tpu.memory_space<hbm>>
        %dma_start3A_45 = tpu.memref_slice %arg3[%add3A_44] : memref<320000xf32, #tpu.memory_space<hbm>> -> memref<128xf32, #tpu.memory_space<hbm>>
        tpu.enqueue_dma source(%dma_start3A_45 : memref<128xf32, #tpu.memory_space<hbm>>) target(%arg10 : memref<128xf32, #tpu.memory_space<vmem>>) target_semaphore(%run_scoped3A : memref<!tpu.dma_semaphore, #tpu.memory_space<semaphore_mem>>)
        %dma_wait3A = tpu.memref_slice %arg3[%add3A_44] : memref<320000xf32, #tpu.memory_space<hbm>> -> memref<128xf32, #tpu.memory_space<hbm>>
        %dma_wait3A_46 = tpu.memref_slice %arg3[%add3A_44] : memref<320000xf32, #tpu.memory_space<hbm>> -> memref<128xf32, #tpu.memory_space<hbm>>
        tpu.wait_dma2 semaphore(%run_scoped3A : memref<!tpu.dma_semaphore, #tpu.memory_space<semaphore_mem>>) src(%dma_wait3A_46 : memref<128xf32, #tpu.memory_space<hbm>>) dst(%arg10 : memref<128xf32, #tpu.memory_space<vmem>>)
        tpu.yield
      }) : () -> ()
    } else {
    }
    %mul3A_5 = arith.constant 9984 : i32
    %mul3A_6 = arith.muli %arg0, %mul3A_5 : i32
    %broadcast_in_dim3A = arith.constant 0.000000e+00 : f32
    %broadcast_in_dim3A_7 = vector.broadcast %broadcast_in_dim3A : f32 to vector<16xf32>
    %parallel_loop3A = arith.constant 0 : i32
    %parallel_loop3A_8 = arith.constant 9984 : i32
    %parallel_loop3A_9 = arith.constant 16 : i32
    %parallel_loop3A_10:8 = scf.for %parallel_loop3A_37 = %parallel_loop3A to %parallel_loop3A_8 step %parallel_loop3A_9 iter_args(%parallel_loop3A_38 = %broadcast_in_dim3A_7, %parallel_loop3A_39 = %broadcast_in_dim3A_7, %parallel_loop3A_40 = %broadcast_in_dim3A_7, %parallel_loop3A_41 = %broadcast_in_dim3A_7, %parallel_loop3A_42 = %broadcast_in_dim3A_7, %parallel_loop3A_43 = %broadcast_in_dim3A_7, %parallel_loop3A_44 = %broadcast_in_dim3A_7, %parallel_loop3A_45 = %broadcast_in_dim3A_7) -> (vector<16xf32>, vector<16xf32>, vector<16xf32>, vector<16xf32>, vector<16xf32>, vector<16xf32>, vector<16xf32>, vector<16xf32>)  : i32 {
      %parallel_loop3A_46 = arith.addi %mul3A_6, %parallel_loop3A_37 : i32
      %parallel_loop3A_47 = arith.constant 0 : i32
      %parallel_loop3A_48 = arith.index_cast %parallel_loop3A_47 : i32 to index
      %parallel_loop3A_49 = arith.index_cast %parallel_loop3A_46 : i32 to index
      %parallel_loop3A_50 = tpu.vector_load %arg7[%parallel_loop3A_48, %parallel_loop3A_49] {strides = array<i32>} : memref<2x19968xi32, #tpu.memory_space<vmem>>, vector<16xi32>,
      %parallel_loop3A_51 = arith.constant 1 : i32
      %parallel_loop3A_52 = arith.index_cast %parallel_loop3A_51 : i32 to index
      %parallel_loop3A_53 = arith.index_cast %parallel_loop3A_46 : i32 to index
      %parallel_loop3A_54 = tpu.vector_load %arg7[%parallel_loop3A_52, %parallel_loop3A_53] {strides = array<i32>} : memref<2x19968xi32, #tpu.memory_space<vmem>>, vector<16xi32>,
      %parallel_loop3A_55 = arith.index_cast %parallel_loop3A_46 : i32 to index
      %parallel_loop3A_56 = tpu.vector_load %arg8[%parallel_loop3A_55] {strides = array<i32>} : memref<19968xf32, #tpu.memory_space<vmem>>, vector<16xf32>,
      %parallel_loop3A_57 = tpu.vector_load_idx %arg11[%parallel_loop3A_50] : memref<10240xf32, #tpu.memory_space<vmem>>[vector<16xi32>], vector<16xf32>,
      %parallel_loop3A_58 = tpu.vector_load_idx %arg12[%parallel_loop3A_54] : memref<10240xf32, #tpu.memory_space<vmem>>[vector<16xi32>], vector<16xf32>,
      %parallel_loop3A_59 = arith.mulf %parallel_loop3A_56, %parallel_loop3A_57 : vector<16xf32>
      %parallel_loop3A_60 = arith.mulf %parallel_loop3A_59, %parallel_loop3A_58 : vector<16xf32>
      %parallel_loop3A_61 = arith.addf %parallel_loop3A_38, %parallel_loop3A_60 : vector<16xf32>
      scf.yield %parallel_loop3A_39, %parallel_loop3A_40, %parallel_loop3A_41, %parallel_loop3A_42, %parallel_loop3A_43, %parallel_loop3A_44, %parallel_loop3A_45, %parallel_loop3A_61 : vector<16xf32>, vector<16xf32>, vector<16xf32>, vector<16xf32>, vector<16xf32>, vector<16xf32>, vector<16xf32>, vector<16xf32>
    } {sc.loop_unroll_factor = 8 : i64, sc.parallel_access}
    %add3A = arith.addf %parallel_loop3A_10#0, %parallel_loop3A_10#1 : vector<16xf32>
    %add3A_11 = arith.addf %parallel_loop3A_10#2, %parallel_loop3A_10#3 : vector<16xf32>
    %add3A_12 = arith.addf %add3A, %add3A_11 : vector<16xf32>
    %add3A_13 = arith.addf %parallel_loop3A_10#4, %parallel_loop3A_10#5 : vector<16xf32>
    %add3A_14 = arith.addf %parallel_loop3A_10#6, %parallel_loop3A_10#7 : vector<16xf32>
    %add3A_15 = arith.addf %add3A_13, %add3A_14 : vector<16xf32>
    %add3A_16 = arith.addf %add3A_12, %add3A_15 : vector<16xf32>
    %mul3A_17 = arith.constant 64 : i32
    %mul3A_18 = arith.muli %arg0, %mul3A_17 : i32
    %lt3A_19 = arith.constant 4 : i32
    %lt3A_20 = arith.cmpi slt, %arg1, %lt3A_19 : i32
    %convert_element_type3A_21 = arith.extui %lt3A_20 : i1 to i32
    %cond3A_22 = arith.constant 0 : i32
    %cond3A_23 = arith.cmpi ne, %convert_element_type3A_21, %cond3A_22 : i32
    %cond3A_24 = scf.if %cond3A_23 -> (vector<16xf32>) {
      %scan3A = arith.constant 0 : i32
      %scan3A_37 = arith.constant 4 : i32
      %scan3A_38 = arith.addi %scan3A, %scan3A_37 : i32
      %scan3A_39 = arith.constant 1 : i32
      %scan3A_40 = scf.for %scan3A_42 = %scan3A to %scan3A_38 step %scan3A_39 iter_args(%scan3A_43 = %broadcast_in_dim3A_7) -> (vector<16xf32>)  : i32 {
        %mul3A_44 = arith.constant 16 : i32
        %mul3A_45 = arith.muli %scan3A_42, %mul3A_44 : i32
        %add3A_46 = arith.addi %mul3A_18, %mul3A_45 : i32
        %get3A = arith.constant 0 : i32
        %get3A_47 = arith.index_cast %get3A : i32 to index
        %get3A_48 = arith.index_cast %add3A_46 : i32 to index
        %get3A_49 = tpu.vector_load %arg9[%get3A_47, %get3A_48] {strides = array<i32>} : memref<2x128xi32, #tpu.memory_space<vmem>>, vector<16xi32>,
        %get3A_50 = arith.constant 1 : i32
        %get3A_51 = arith.index_cast %get3A_50 : i32 to index
        %get3A_52 = arith.index_cast %add3A_46 : i32 to index
        %get3A_53 = tpu.vector_load %arg9[%get3A_51, %get3A_52] {strides = array<i32>} : memref<2x128xi32, #tpu.memory_space<vmem>>, vector<16xi32>,
        %get3A_54 = arith.index_cast %add3A_46 : i32 to index
        %get3A_55 = tpu.vector_load %arg10[%get3A_54] {strides = array<i32>} : memref<128xf32, #tpu.memory_space<vmem>>, vector<16xf32>,
        %gather3A = tpu.vector_load_idx %arg11[%get3A_49] : memref<10240xf32, #tpu.memory_space<vmem>>[vector<16xi32>], vector<16xf32>,
        %gather3A_56 = tpu.vector_load_idx %arg12[%get3A_53] : memref<10240xf32, #tpu.memory_space<vmem>>[vector<16xi32>], vector<16xf32>,
        %mul3A_57 = arith.mulf %get3A_55, %gather3A : vector<16xf32>
        %mul3A_58 = arith.mulf %mul3A_57, %gather3A_56 : vector<16xf32>
        %add3A_59 = arith.addf %scan3A_43, %mul3A_58 : vector<16xf32>
        scf.yield %add3A_59 : vector<16xf32>
      }
      %scan3A_41 = arith.constant 4 : i32
      scf.yield %scan3A_40 : vector<16xf32>
    } else {
      scf.yield %broadcast_in_dim3A_7 : vector<16xf32>
    }
    %mul3A_25 = arith.constant 2 : i32
    %mul3A_26 = arith.muli %arg1, %mul3A_25 : i32
    %add3A_27 = arith.addi %mul3A_26, %arg0 : i32
    %mul3A_28 = arith.constant 320 : i32
    %mul3A_29 = arith.muli %add3A_27, %mul3A_28 : i32
    %parallel_loop3A_30 = arith.constant 0 : i32
    %parallel_loop3A_31 = arith.constant 320 : i32
    %parallel_loop3A_32 = arith.constant 16 : i32
    %parallel_loop3A_33 = scf.for %parallel_loop3A_37 = %parallel_loop3A_30 to %parallel_loop3A_31 step %parallel_loop3A_32 iter_args(%parallel_loop3A_38 = %broadcast_in_dim3A_7) -> (vector<16xf32>)  : i32 {
      %parallel_loop3A_39 = arith.addi %mul3A_29, %parallel_loop3A_37 : i32
      %parallel_loop3A_40 = arith.index_cast %parallel_loop3A_39 : i32 to index
      %parallel_loop3A_41 = tpu.vector_load %arg11[%parallel_loop3A_40] {strides = array<i32>} : memref<10240xf32, #tpu.memory_space<vmem>>, vector<16xf32>,
      %parallel_loop3A_42 = arith.index_cast %parallel_loop3A_39 : i32 to index
      %parallel_loop3A_43 = tpu.vector_load %arg12[%parallel_loop3A_42] {strides = array<i32>} : memref<10240xf32, #tpu.memory_space<vmem>>, vector<16xf32>,
      %parallel_loop3A_44 = arith.mulf %parallel_loop3A_41, %parallel_loop3A_43 : vector<16xf32>
      %parallel_loop3A_45 = arith.addf %parallel_loop3A_38, %parallel_loop3A_44 : vector<16xf32>
      scf.yield %parallel_loop3A_45 : vector<16xf32>
    } {sc.loop_unroll_factor = 4 : i64, sc.parallel_access}
    %add3A_34 = arith.addf %cond3A_24, %parallel_loop3A_33 : vector<16xf32>
    %add3A_35 = arith.addf %add3A_16, %add3A_34 : vector<16xf32>
    %swap3A = arith.constant 0 : index
    %swap3A_36 = tpu.vector_load %arg13[%swap3A] {strides = array<i32>} : memref<16xf32, #tpu.memory_space<vmem>>, vector<16xf32>,
    tpu.vector_store %arg13[%swap3A], %add3A_35 {strides = array<i32>} : memref<16xf32, #tpu.memory_space<vmem>>, vector<16xf32>,
    "tpu.region"() ({
      %run_scoped3A = tpu.sem_alloc : memref<!tpu.dma_semaphore, #tpu.memory_space<semaphore_mem>>
      %dma_start3A = arith.constant 0 : i32
      %dma_start3A_37 = tpu.memref_slice %arg6[%add3A_27, %dma_start3A] : memref<32x16xf32, #tpu.memory_space<hbm>> -> memref<1x16xf32, #tpu.memory_space<hbm>>
      %dma_start3A_38 = tpu.memref_squeeze %dma_start3A_37 : memref<1x16xf32, #tpu.memory_space<hbm>> -> memref<16xf32, #tpu.memory_space<hbm>>
      %dma_start3A_39 = arith.constant 0 : i32
      %dma_start3A_40 = tpu.memref_slice %arg6[%add3A_27, %dma_start3A_39] : memref<32x16xf32, #tpu.memory_space<hbm>> -> memref<1x16xf32, #tpu.memory_space<hbm>>
      %dma_start3A_41 = tpu.memref_squeeze %dma_start3A_40 : memref<1x16xf32, #tpu.memory_space<hbm>> -> memref<16xf32, #tpu.memory_space<hbm>>
      tpu.enqueue_dma source(%arg13 : memref<16xf32, #tpu.memory_space<vmem>>) target(%dma_start3A_41 : memref<16xf32, #tpu.memory_space<hbm>>) target_semaphore(%run_scoped3A : memref<!tpu.dma_semaphore, #tpu.memory_space<semaphore_mem>>)
      %dma_wait3A = arith.constant 0 : i32
      %dma_wait3A_42 = tpu.memref_slice %arg6[%add3A_27, %dma_wait3A] : memref<32x16xf32, #tpu.memory_space<hbm>> -> memref<1x16xf32, #tpu.memory_space<hbm>>
      %dma_wait3A_43 = tpu.memref_squeeze %dma_wait3A_42 : memref<1x16xf32, #tpu.memory_space<hbm>> -> memref<16xf32, #tpu.memory_space<hbm>>
      %dma_wait3A_44 = arith.constant 0 : i32
      %dma_wait3A_45 = tpu.memref_slice %arg6[%add3A_27, %dma_wait3A_44] : memref<32x16xf32, #tpu.memory_space<hbm>> -> memref<1x16xf32, #tpu.memory_space<hbm>>
      %dma_wait3A_46 = tpu.memref_squeeze %dma_wait3A_45 : memref<1x16xf32, #tpu.memory_space<hbm>> -> memref<16xf32, #tpu.memory_space<hbm>>
      tpu.wait_dma2 semaphore(%run_scoped3A : memref<!tpu.dma_semaphore, #tpu.memory_space<semaphore_mem>>) src(%arg13 : memref<16xf32, #tpu.memory_space<vmem>>) dst(%dma_wait3A_46 : memref<16xf32, #tpu.memory_space<hbm>>)
      tpu.yield
    }) : () -> ()
    return
  }
}

module attributes {stable_mosaic.version = 14 : i64} {
  func.func @_uv_body(%arg0: memref<2x10000xf32, #tpu.memory_space<vmem>>, %arg1: memref<10240xf32, #tpu.memory_space<vmem>>, %arg2: memref<10240xf32, #tpu.memory_space<vmem>>, %arg3: memref<10240xf32, #tpu.memory_space<vmem>>) attributes {dimension_semantics = [], scalar_prefetch = 0 : i64, scratch_operands = 0 : i64, tpu.core_type = #tpu.core_type<tc>} {
    %get3A = arith.constant 0 : index
    %get3A_0 = arith.constant 0 : index
    %get3A_1 = vector.load %arg0[%get3A, %get3A_0] : memref<2x10000xf32, #tpu.memory_space<vmem>>, vector<1x10000xf32>
    %get3A_2 = arith.constant 1 : index
    %get3A_3 = arith.constant 0 : index
    %get3A_4 = vector.load %arg0[%get3A_2, %get3A_3] : memref<2x10000xf32, #tpu.memory_space<vmem>>, vector<1x10000xf32>
    %add3A = arith.addf %get3A_1, %get3A_4 : vector<1x10000xf32>
    %add3A_5 = arith.constant 1.000000e+00 : f32
    %add3A_6 = vector.broadcast %add3A_5 : f32 to vector<1x10000xf32>
    %add3A_7 = arith.addf %add3A, %add3A_6 : vector<1x10000xf32>
    %rsqrt3A = math.rsqrt %add3A_7 : vector<1x10000xf32>
    %get3A_8 = arith.constant 0 : index
    %get3A_9 = vector.load %arg1[%get3A_8] : memref<10240xf32, #tpu.memory_space<vmem>>, vector<10240xf32>
    %slice3A = vector.extract_strided_slice %get3A_9 {offsets = [0], sizes = [10000], strides = [1]} : vector<10240xf32> to vector<10000xf32>
    %broadcast_in_dim3A = vector.shape_cast %slice3A : vector<10000xf32> to vector<1x10000xf32>
    %broadcast_in_dim3A_10 = arith.constant 0.000000e+00 : f32
    %broadcast_in_dim3A_11 = vector.broadcast %broadcast_in_dim3A_10 : f32 to vector<240xf32>
    %mul3A = arith.mulf %broadcast_in_dim3A, %rsqrt3A : vector<1x10000xf32>
    %mul3A_12 = arith.constant 9.99999974E-5 : f32
    %mul3A_13 = vector.broadcast %mul3A_12 : f32 to vector<1x10000xf32>
    %mul3A_14 = arith.mulf %mul3A, %mul3A_13 : vector<1x10000xf32>
    %reshape3A = vector.shape_cast %mul3A_14 : vector<1x10000xf32> to vector<10000xf32>
    %concatenate3A = tpu.concatenate %reshape3A, %broadcast_in_dim3A_11 in 0 : vector<10000xf32>, vector<240xf32> -> vector<10240xf32>
    %swap3A = arith.constant 0 : index
    %swap3A_15 = vector.load %arg2[%swap3A] : memref<10240xf32, #tpu.memory_space<vmem>>, vector<10240xf32>
    tpu.vector_store %arg2[%swap3A], %concatenate3A {strides = array<i32>} : memref<10240xf32, #tpu.memory_space<vmem>>, vector<10240xf32>,
    %reshape3A_16 = vector.shape_cast %rsqrt3A : vector<1x10000xf32> to vector<10000xf32>
    %concatenate3A_17 = tpu.concatenate %reshape3A_16, %broadcast_in_dim3A_11 in 0 : vector<10000xf32>, vector<240xf32> -> vector<10240xf32>
    %swap3A_18 = arith.constant 0 : index
    %swap3A_19 = vector.load %arg3[%swap3A_18] : memref<10240xf32, #tpu.memory_space<vmem>>, vector<10240xf32>
    tpu.vector_store %arg3[%swap3A_18], %concatenate3A_17 {strides = array<i32>} : memref<10240xf32, #tpu.memory_space<vmem>>, vector<10240xf32>,
    return
  }
}

module attributes {stable_mosaic.version = 14 : i64} {
  func.func @_dense_body(%arg0: i32, %arg1: memref<1x128xf32, #tpu.memory_space<vmem>>, %arg2: memref<1024x128xf32, #tpu.memory_space<vmem>>, %arg3: memref<1024x128xf32, #tpu.memory_space<vmem>>, %arg4: memref<384x128xf32, #tpu.memory_space<vmem>>, %arg5: memref<128xf32, #tpu.memory_space<vmem>>, %arg6: memref<128x128xf32, #tpu.memory_space<vmem>>, %arg7: memref<128xf32, #tpu.memory_space<vmem>>, %arg8: memref<128x1xf32, #tpu.memory_space<vmem>>, %arg9: memref<1xf32, #tpu.memory_space<vmem>>, %arg10: memref<1024xf32, #tpu.memory_space<vmem>>, %arg11: memref<1x1xf32, #tpu.memory_space<vmem>>) attributes {dimension_semantics = [#tpu.dimension_semantics<arbitrary>], iteration_bounds = array<i64: 10>, scalar_prefetch = 0 : i64, scratch_operands = 0 : i64, tpu.core_type = #tpu.core_type<tc>, window_params = [{pipeline_mode = #tpu.pipeline_mode<synchronous>, transform_indices = @transform_0, window_bounds = array<i64: 1, 128>}, {transform_indices = @transform_1, window_bounds = array<i64: 1024, 128>}, {transform_indices = @transform_2, window_bounds = array<i64: 1024, 128>}, {pipeline_mode = #tpu.pipeline_mode<synchronous>, transform_indices = @transform_3, window_bounds = array<i64: 384, 128>}, {pipeline_mode = #tpu.pipeline_mode<synchronous>, transform_indices = @transform_4, window_bounds = array<i64: 128>}, {pipeline_mode = #tpu.pipeline_mode<synchronous>, transform_indices = @transform_5, window_bounds = array<i64: 128, 128>}, {pipeline_mode = #tpu.pipeline_mode<synchronous>, transform_indices = @transform_6, window_bounds = array<i64: 128>}, {pipeline_mode = #tpu.pipeline_mode<synchronous>, transform_indices = @transform_7, window_bounds = array<i64: 128, 1>}, {pipeline_mode = #tpu.pipeline_mode<synchronous>, transform_indices = @transform_8, window_bounds = array<i64: 1>}, {transform_indices = @transform_9, window_bounds = array<i64: 1024>}, {pipeline_mode = #tpu.pipeline_mode<synchronous>, transform_indices = @transform_10, window_bounds = array<i64: 1, 1>}]} {
    %get3A = arith.constant 0 : index
    %get3A_0 = arith.constant 0 : index
    %get3A_1 = vector.load %arg1[%get3A, %get3A_0] : memref<1x128xf32, #tpu.memory_space<vmem>>, vector<1x128xf32>
    %broadcast_in_dim3A = vector.shape_cast %get3A_1 : vector<1x128xf32> to vector<1x128xf32>
    %broadcast_in_dim3A_2 = vector.broadcast %broadcast_in_dim3A : vector<1x128xf32> to vector<1024x128xf32>
    %get3A_3 = arith.constant 0 : index
    %get3A_4 = arith.constant 0 : index
    %get3A_5 = vector.load %arg2[%get3A_3, %get3A_4] : memref<1024x128xf32, #tpu.memory_space<vmem>>, vector<1024x128xf32>
    %get3A_6 = arith.constant 0 : index
    %get3A_7 = arith.constant 0 : index
    %get3A_8 = vector.load %arg3[%get3A_6, %get3A_7] : memref<1024x128xf32, #tpu.memory_space<vmem>>, vector<1024x128xf32>
    %concatenate3A = tpu.concatenate %get3A_5, %get3A_8, %broadcast_in_dim3A_2 in 1 : vector<1024x128xf32>, vector<1024x128xf32>, vector<1024x128xf32> -> vector<1024x384xf32>
    %get3A_9 = arith.constant 0 : index
    %get3A_10 = arith.constant 0 : index
    %get3A_11 = vector.load %arg4[%get3A_9, %get3A_10] : memref<384x128xf32, #tpu.memory_space<vmem>>, vector<384x128xf32>
    %dot_general3A = arith.constant dense<0.000000e+00> : vector<1024x128xf32>
    %dot_general3A_12 = tpu.matmul %concatenate3A, %get3A_11, %dot_general3A {dimension_numbers = #tpu.dot_dimension_numbers<[1], [0], [0], [1], [0, 0, 1, 1], [], []>, transpose_lhs_hint = false} : vector<1024x384xf32>, vector<384x128xf32>, vector<1024x128xf32> -> vector<1024x128xf32>
    %get3A_13 = arith.constant 0 : index
    %get3A_14 = vector.load %arg5[%get3A_13] : memref<128xf32, #tpu.memory_space<vmem>>, vector<128xf32>
    %broadcast_in_dim3A_15 = vector.shape_cast %get3A_14 : vector<128xf32> to vector<1x128xf32>
    %add3A = vector.broadcast %broadcast_in_dim3A_15 : vector<1x128xf32> to vector<1024x128xf32>
    %add3A_16 = arith.addf %dot_general3A_12, %add3A : vector<1024x128xf32>
    %mul3A = arith.mulf %add3A_16, %add3A_16 : vector<1024x128xf32>
    %reduce_sum3A = arith.constant dense<0.000000e+00> : vector<1024xf32>
    %reduce_sum3A_17 = vector.multi_reduction <add>, %mul3A, %reduce_sum3A [1] : vector<1024x128xf32> to vector<1024xf32>
    %broadcast_in_dim3A_18 = vector.shape_cast %reduce_sum3A_17 : vector<1024xf32> to vector<1024x1xf32>
    %sqrt3A = math.sqrt %broadcast_in_dim3A_18 : vector<1024x1xf32>
    %max3A = arith.constant 9.99999996E-13 : f32
    %max3A_19 = vector.broadcast %max3A : f32 to vector<1024x1xf32>
    %max3A_20 = arith.maximumf %sqrt3A, %max3A_19 : vector<1024x1xf32>
    %div3A = vector.broadcast %max3A_20 : vector<1024x1xf32> to vector<1024x128xf32>
    %div3A_21 = arith.divf %add3A_16, %div3A : vector<1024x128xf32>
    %get3A_22 = arith.constant 0 : index
    %get3A_23 = arith.constant 0 : index
    %get3A_24 = vector.load %arg6[%get3A_22, %get3A_23] : memref<128x128xf32, #tpu.memory_space<vmem>>, vector<128x128xf32>
    %dot_general3A_25 = arith.constant dense<0.000000e+00> : vector<1024x128xf32>
    %dot_general3A_26 = tpu.matmul %div3A_21, %get3A_24, %dot_general3A_25 {dimension_numbers = #tpu.dot_dimension_numbers<[1], [0], [0], [1], [0, 0, 1, 1], [], []>, transpose_lhs_hint = false} : vector<1024x128xf32>, vector<128x128xf32>, vector<1024x128xf32> -> vector<1024x128xf32>
    %get3A_27 = arith.constant 0 : index
    %get3A_28 = arith.constant 0 : index
    %get3A_29 = vector.load %arg8[%get3A_27, %get3A_28] : memref<128x1xf32, #tpu.memory_space<vmem>>, vector<128x1xf32>
    %dot_general3A_30 = arith.constant dense<0.000000e+00> : vector<1024x1xf32>
    %dot_general3A_31 = tpu.matmul %dot_general3A_26, %get3A_29, %dot_general3A_30 {dimension_numbers = #tpu.dot_dimension_numbers<[1], [0], [0], [1], [0, 0, 1, 1], [], []>, transpose_lhs_hint = false} : vector<1024x128xf32>, vector<128x1xf32>, vector<1024x1xf32> -> vector<1024x1xf32>
    %reshape3A = vector.shape_cast %dot_general3A_31 : vector<1024x1xf32> to vector<1024xf32>
    %swap3A = arith.constant 0 : index
    %swap3A_32 = vector.load %arg10[%swap3A] : memref<1024xf32, #tpu.memory_space<vmem>>, vector<1024xf32>
    tpu.vector_store %arg10[%swap3A], %reshape3A {strides = array<i32>} : memref<1024xf32, #tpu.memory_space<vmem>>, vector<1024xf32>,
    %eq3A = arith.constant 0 : i32
    %eq3A_33 = arith.cmpi eq, %arg0, %eq3A : i32
    %convert_element_type3A = arith.extui %eq3A_33 : i1 to i32
    %cond3A = arith.constant 0 : i32
    %cond3A_34 = arith.cmpi ne, %convert_element_type3A, %cond3A : i32
    scf.if %cond3A_34 {
      %get3A_35 = arith.constant 0 : index
      %get3A_36 = vector.load %arg7[%get3A_35] : memref<128xf32, #tpu.memory_space<vmem>>, vector<128xf32>
      %get3A_37 = arith.constant 0 : index
      %get3A_38 = arith.constant 0 : index
      %get3A_39 = vector.load %arg8[%get3A_37, %get3A_38] : memref<128x1xf32, #tpu.memory_space<vmem>>, vector<128x1xf32>
      %squeeze3A = vector.shape_cast %get3A_39 : vector<128x1xf32> to vector<128xf32>
      %mul3A_40 = arith.mulf %get3A_36, %squeeze3A : vector<128xf32>
      %reduce_sum3A_41 = vector.shape_cast %mul3A_40 : vector<128xf32> to vector<1x128xf32>
      %reduce_sum3A_42 = arith.constant dense<0.000000e+00> : vector<1xf32>
      %reduce_sum3A_43 = vector.multi_reduction <add>, %reduce_sum3A_41, %reduce_sum3A_42 [1] : vector<1x128xf32> to vector<1xf32>
      %reduce_sum3A_44 = vector.shape_cast %reduce_sum3A_43 : vector<1xf32> to vector<1x1xf32>
      %reduce_sum3A_45 = vector.extract %reduce_sum3A_44[0, 0] : f32 from vector<1x1xf32>
      %get3A_46 = arith.constant 0 : index
      %get3A_47 = vector.load %arg9[%get3A_46] : memref<1xf32, #tpu.memory_space<vmem>>, vector<1xf32>
      %reduce_sum3A_48 = vector.shape_cast %get3A_47 : vector<1xf32> to vector<1x1xf32>
      %reduce_sum3A_49 = arith.constant dense<0.000000e+00> : vector<1xf32>
      %reduce_sum3A_50 = vector.multi_reduction <add>, %reduce_sum3A_48, %reduce_sum3A_49 [1] : vector<1x1xf32> to vector<1xf32>
      %reduce_sum3A_51 = vector.shape_cast %reduce_sum3A_50 : vector<1xf32> to vector<1x1xf32>
      %reduce_sum3A_52 = vector.extract %reduce_sum3A_51[0, 0] : f32 from vector<1x1xf32>
      %add3A_53 = arith.addf %reduce_sum3A_45, %reduce_sum3A_52 : f32
      %reshape3A_54 = vector.broadcast %add3A_53 : f32 to vector<1x1xf32>
      %swap3A_55 = arith.constant 0 : index
      %swap3A_56 = arith.constant 0 : index
      %swap3A_57 = vector.load %arg11[%swap3A_55, %swap3A_56] : memref<1x1xf32, #tpu.memory_space<vmem>>, vector<1x1xf32>
      tpu.vector_store %arg11[%swap3A_55, %swap3A_56], %reshape3A_54 {strides = array<i32>} : memref<1x1xf32, #tpu.memory_space<vmem>>, vector<1x1xf32>,
    } else {
    }
    return
  }
  func.func @transform_0(%arg0: i32) -> (i32, i32) {
    %c0_i32 = arith.constant 0 : i32
    %c0_i32_0 = arith.constant 0 : i32
    %c0_i32_1 = arith.constant 0 : i32
    return %c0_i32, %c0_i32_0 : i32, i32
  }
  func.func @transform_1(%arg0: i32) -> (i32, i32) {
    %c0_i32 = arith.constant 0 : i32
    %c0_i32_0 = arith.constant 0 : i32
    return %arg0, %c0_i32 : i32, i32
  }
  func.func @transform_2(%arg0: i32) -> (i32, i32) {
    %c0_i32 = arith.constant 0 : i32
    %c0_i32_0 = arith.constant 0 : i32
    return %arg0, %c0_i32 : i32, i32
  }
  func.func @transform_3(%arg0: i32) -> (i32, i32) {
    %c0_i32 = arith.constant 0 : i32
    %c0_i32_0 = arith.constant 0 : i32
    %c0_i32_1 = arith.constant 0 : i32
    return %c0_i32, %c0_i32_0 : i32, i32
  }
  func.func @transform_4(%arg0: i32) -> i32 {
    %c0_i32 = arith.constant 0 : i32
    %c0_i32_0 = arith.constant 0 : i32
    return %c0_i32 : i32
  }
  func.func @transform_5(%arg0: i32) -> (i32, i32) {
    %c0_i32 = arith.constant 0 : i32
    %c0_i32_0 = arith.constant 0 : i32
    %c0_i32_1 = arith.constant 0 : i32
    return %c0_i32, %c0_i32_0 : i32, i32
  }
  func.func @transform_6(%arg0: i32) -> i32 {
    %c0_i32 = arith.constant 0 : i32
    %c0_i32_0 = arith.constant 0 : i32
    return %c0_i32 : i32
  }
  func.func @transform_7(%arg0: i32) -> (i32, i32) {
    %c0_i32 = arith.constant 0 : i32
    %c0_i32_0 = arith.constant 0 : i32
    %c0_i32_1 = arith.constant 0 : i32
    return %c0_i32, %c0_i32_0 : i32, i32
  }
  func.func @transform_8(%arg0: i32) -> i32 {
    %c0_i32 = arith.constant 0 : i32
    %c0_i32_0 = arith.constant 0 : i32
    return %c0_i32 : i32
  }
  func.func @transform_9(%arg0: i32) -> i32 {
    %c0_i32 = arith.constant 0 : i32
    return %arg0 : i32
  }
  func.func @transform_10(%arg0: i32) -> (i32, i32) {
    %c0_i32 = arith.constant 0 : i32
    %c0_i32_0 = arith.constant 0 : i32
    %c0_i32_1 = arith.constant 0 : i32
    return %c0_i32, %c0_i32_0 : i32, i32
  }
}

</mosaic_0001>

<sc_bundles>
// kernel: kernel.6.cloned.1.call-start
scs
__scs_entry_jumppad:
0x0: {  	(pc) =	sbr.rel $0x88, $3  }
0x1: {  	(tag) =	ssettag $0x0;
	lr =	simm.s32 $0x1  }
0x2: {  	[smem:$0x3F96] =	sst lr;
	_ =	strace $0xD0000000  }
0x3: {  	_ = 	snop  }
0x4: {  	_ = 	snop  }
0x5: {  	_ = 	snop  }
0x6: {  	_ = 	snop  }
0x7: {  	_ = 	snop  }
__scs_overlays_trampoline_lowered:
0x8: {  	[smem:$0x3FA5] =	sst s0  }
0x9: {  	[smem:$0x3FA6] =	sst s1  }
0xa: {  	[smem:$0x3FA7] =	sst s2  }
0xb: {  	[smem:$0x3FA8] =	sst s3  }
0xc: {  	[smem:$0x3FA9] =	sst s4  }
0xd: {  	[smem:$0x3FAA] =	sst s5  }
0xe: {  	[smem:$0x3FAB] =	sst s6  }
0xf: {  	[smem:$0x3FAC] =	sst s7  }
0x10: {  	[smem:$0x3FAD] =	sst s8  }
0x11: {  	[smem:$0x3FAE] =	sst s9;
	s0 =	simm.s32 @!p0 $0x0  }
0x12: {  	s1 =	sld [smem:$0x3F94];
	s0 =	simm.s32 @p0 $0x1  }
0x13: {  	[smem:$0x3FAF] =	sst s0;
	s0 =	simm.s32 @!p1 $0x0  }
0x14: {  	s2 =	sld [smem:$0x3F93];
	s0 =	simm.s32 @p1 $0x1  }
0x15: {  	[smem:$0x3FB0] =	sst s0;
	s0 =	simm.s32 @!p2 $0x0  }
0x16: {  	s3 =	sld [smem:$0x3FDB];
	s0 =	simm.s32 @p2 $0x1  }
0x17: {  	s4 =	simm.s32 $0x1BF5;
	[smem:$0x3FB2] =	sst s0  }
0x18: {  	s0 =	sld [smem:$0x3F95];
	_ =	swait.ge [sflag:s4], $0x0  }
0x19: {  	s7 =	sld [smem:$0x3F96]  }
0x1a: {  	s8 =	sadd.s32 $0xFFFFE003, lr  }
0x1b: {  	s9 =	sadd.s32 $0xFFFFFEF7, lr;
	s5 =	simm.s32 $0xFFFFFFFF;
	p2 =	slt.u32 s8, $0xFFFFF086  }
0x1c: {  	p1 =	slt.u32 s9, $0xF7A;
	s5 =	simm.s32 @!p2 $0x0  }
0x1d: {  	s5 =	simm.s32 @p1 $0x1;
	p0 =	seq.s32 s7, s2  }
0x1e: {  	s7 =	smul.u32 @!p0 $0xF7A, s2;
	p2 =	seq.s32 @!p0 s5, $0x0  }
0x1f: {  	s9 =	smul.u32 $0xF7A, s1;
	s8 =	simm.s32 @!p0 $0x1BF5;
	p2 =	por !p2, p0  }
0x20: {  	[sflag:s8] =	ssyncset.s32 @!p0 $0xFFFFF086;
	s6 =	sadd.s32 @!p0 s3, s7;
	s7 =	simm.s32 @!p0 $0x108  }
0x21: {  	s3 =	sadd.s32 s3, s9;
	s6 =	sadd.s32 @!p0 $0x88, s6;
	s7 =	simm.s32 @p2 $0x1082  }
0x22: {  	[simem:s7], [sflag:s8] =	dma.local @!p0 [hbm:s6], $0xF7A  }
0x23: {  	s9 =	sor.u32 $0xD0000000, s2;
	s6 =	simm.s32 $0x108;
	_ =	swait.ge @!p0 [sflag:s8], $0x0  }
0x24: {  	s3 =	sadd.s32 $0x88, s3;
	s6 =	simm.s32 @!p1 $0x1082;
	[sflag:s4] =	ssyncset.s32 $0xFFFFF086  }
0x25: {  	[simem:s6], [sflag:s4] =	dma.local [hbm:s3], $0xF7A  }
0x26: {  	[smem:$0x3F96] =	sst s1;
	(tag) =	ssettag s2;
	_ =	strace s9  }
0x27: {  	s1 =	sld [smem:$0x3FA6]  }
0x28: {  	s2 =	sld [smem:$0x3FA7]  }
0x29: {  	s4 =	sld [smem:$0x3FA9]  }
0x2a: {  	p0 =	seq.s32 s5, $0x0;
	s5 =	sld [smem:$0x3FAA]  }
0x2b: {  	s6 =	sld [smem:$0x3FAB]  }
0x2c: {  	s7 =	sld [smem:$0x3FAC]  }
0x2d: {  	s3 =	simm.s32 $0x108;
	s8 =	sld [smem:$0x3FAD]  }
0x2e: {  	s3 =	simm.s32 @!p0 $0x1082;
	s9 =	sld [smem:$0x3FAE]  }
0x2f: {  	lr =	sadd.s32 s0, s3;
	s0 =	sld [smem:$0x3FA5]  }
0x30: {  	s3 =	sld [smem:$0x3FA8]  }
0x31: {  	[smem:$0x3FB1] =	sst s10  }
0x32: {  	s10 =	sld [smem:$0x3FAF];
	_ =	sdelay $0x3  }
0x33: {  	p0 =	seq.s32 s10, $0x1;
	s10 =	sld [smem:$0x3FB1];
	_ =	sdelay $0x3  }
0x34: {  	[smem:$0x3FB1] =	sst s10  }
0x35: {  	s10 =	sld [smem:$0x3FB0];
	_ =	sdelay $0x3  }
0x36: {  	p1 =	seq.s32 s10, $0x1;
	s10 =	sld [smem:$0x3FB1];
	_ =	sdelay $0x3  }
0x37: {  	[smem:$0x3FB1] =	sst s10  }
0x38: {  	s10 =	sld [smem:$0x3FB2]  }
0x39: {  	_ = 	snop;
	(pc) =	sbr.ind lr, $3  }
0x3a: {  	_ = 	snop  }
0x3b: {  	_ = 	snop  }
0x3c: {  	p2 =	seq.s32 s10, $0x1;
	s10 =	sld [smem:$0x3FB1]  }
0x3d: {  	_ =	shalt  }
0x3e: {  	_ =	shalt  }
0x3f: {  	_ =	shalt  }
0x40: {  	_ =	shalt  }
0x41: {  	_ =	shalt  }
0x42: {  	_ =	shalt  }
0x43: {  	_ =	shalt  }
0x44: {  	_ =	shalt  }
0x45: {  	_ =	shalt  }
0x46: {  	_ =	shalt  }
0x47: {  	_ =	shalt  }
0x48: {  	_ =	shalt  }
0x49: {  	_ =	shalt  }
0x4a: {  	_ =	shalt  }
0x4b: {  	_ =	shalt  }
0x4c: {  	_ =	shalt  }
0x4d: {  	_ =	shalt  }
0x4e: {  	_ =	shalt  }
0x4f: {  	_ =	shalt  }
0x50: {  	_ =	shalt  }
0x51: {  	_ =	shalt  }
0x52: {  	_ =	shalt  }
0x53: {  	_ =	shalt  }
0x54: {  	_ =	shalt  }
0x55: {  	_ =	shalt  }
0x56: {  	_ =	shalt  }
0x57: {  	_ =	shalt  }
0x58: {  	_ =	shalt  }
0x59: {  	_ =	shalt  }
0x5a: {  	_ =	shalt  }
0x5b: {  	_ =	shalt  }
0x5c: {  	_ =	shalt  }
0x5d: {  	_ =	shalt  }
0x5e: {  	_ =	shalt  }
0x5f: {  	_ =	shalt  }
0x60: {  	_ =	shalt  }
0x61: {  	_ =	shalt  }
0x62: {  	_ =	shalt  }
0x63: {  	_ =	shalt  }
0x64: {  	_ =	shalt  }
0x65: {  	_ =	shalt  }
0x66: {  	_ =	shalt  }
0x67: {  	_ =	shalt  }
0x68: {  	_ =	shalt  }
0x69: {  	_ =	shalt  }
0x6a: {  	_ =	shalt  }
0x6b: {  	_ =	shalt  }
0x6c: {  	_ =	shalt  }
0x6d: {  	_ =	shalt  }
0x6e: {  	_ =	shalt  }
0x6f: {  	_ =	shalt  }
0x70: {  	_ =	shalt  }
0x71: {  	_ =	shalt  }
0x72: {  	_ =	shalt  }
0x73: {  	_ =	shalt  }
0x74: {  	_ =	shalt  }
0x75: {  	_ =	shalt  }
0x76: {  	_ =	shalt  }
0x77: {  	_ =	shalt  }
0x78: {  	_ =	shalt  }
0x79: {  	_ =	shalt  }
0x7a: {  	_ =	shalt  }
0x7b: {  	_ =	shalt  }
0x7c: {  	_ =	shalt  }
0x7d: {  	_ =	shalt  }
0x7e: {  	_ =	shalt  }
0x7f: {  	_ =	shalt  }
0x80: {  	_ =	shalt  }
0x81: {  	_ =	shalt  }
0x82: {  	_ =	shalt  }
0x83: {  	_ =	shalt  }
0x84: {  	_ =	shalt  }
0x85: {  	_ =	shalt  }
0x86: {  	_ =	shalt  }
0x87: {  	_ =	shalt  }
.Lfunc_end0:
.L_simem_size_0:
called_computation_lowered:
.L_overlay_start_0:
0x88: {  	s2 =	sld [smem:$0x3FD9]  }
0x89: {  	s3 =	sld [smem:$0x3FFE];
	_ =	sdelay $0x1  }
0x8a: {  	s1 =	srdreg.scid  }
0x8b: {  	s0 =	sand.u32 $0x1, s1  }
0x8c: {  	s17 =	sshll.u32 s0, $0xA;
	s2 =	sadd.s32 s3, s2  }
0x8d: {  	s2 =	sadd.s32 s2, s17  }
0x8e: {  	[smem:$0x3FBD] =	sst s2  }
0x8f: {  	_ = 	snop  }
0x90: {  	s2 =	sld [smem:$0x3FC6]  }
0x91: {  	s18 =	sld [smem:$0x3FC5];
	(tm) =	ssettm $0x1  }
0x92: {  	s4 =	sld [smem:$0x3FFB];
	_ =	sdelay $0x3  }
0x93: {  	_ =	strace s4  }
0x94: {  	s4 =	sld [smem:$0x3FFC];
	_ =	sdelay $0x3  }
0x95: {  	_ =	strace s4  }
0x96: {  	s4 =	sld [smem:$0x3FFD];
	_ =	sdelay $0x3  }
0x97: {  	_ =	strace s4  }
0x98: {  	_ =	strace $0x8FFFFFFF  }
0x99: {  	s19 =	sld [smem:$0x3FDB];
	_ =	sdelay $0x1  }
0x9a: {  	s5 =	simm.s32 $_scs_section_size  }
0x9b: {  	s6 =	simm.s32 $_size__tile_overlayer_lowered;
	s7 =	simm.s32 $_tile_overlayer_lowered  }
0x9c: {  	s22 =	simm.s32 $0x1BFF;
	s21 =	sshll.u32 s7, $0x1;
	s4 =	sadd.s32 s5, s19  }
0x9d: {  	s8 =	simm.s32 $0x0;
	s20 =	sshll.u32 s6, $0x1;
	s6 =	sadd.s32 s21, s4  }
0x9e: {  	[timem:s8], [sflag:s22] =	dma.local [hbm:s6], s20  }
0x9f: {  	_ =	swait.ge [sflag:s22], s20  }
0xa0: {  	s5 =	ssub.s32 $0x0, s20;
	[sflag:s22] =	ssyncset.done $0x0  }
0xa1: {  	[sflag:s22] =	ssyncadd.s32 s5;
	_ =	sdelay $0x1  }
0xa2: {  	s23 =	simm.s32 $0x1B8B  }
0xa3: {  	_ =	swait.ge [sflag:s23], $0x1  }
0xa4: {  	[sflag:s23] =	ssyncset.done $0x0  }
0xa5: {  	s25 =	simm.s32 $0x1B8E;
	s24 =	sld [smem:$0x3FFE];
	[sflag:s23] =	ssyncadd.s32 $0xFFFFFFFF  }
0xa6: {  	s26 =	simm.s32 $execute0_lowered;
	[smem:$0x3FD2] =	sst s25  }
0xa7: {  	s6 =	sshll.u32 s26, $0x1;
	_ =	strace $0x80000046;
	[dreg:$0x1] =	wrdreg $0xFFFFFFFF  }
0xa8: {  	s28 =	simm.s32 $_size_execute0_lowered;
	s4 =	sadd.s32 s4, s6;
	[dreg:$0x0] =	wrdreg $0x0  }
0xa9: {  	s6 =	sshll.u32 s28, $0x1;
	[dreg:$0x2] =	wrdreg s4  }
0xaa: {  	[dreg:$0x3] =	wrdreg s6  }
0xab: {  	[dreg:$0x4] =	wrdreg $0xC0  }
0xac: {  	_ =	task [dreg:s8], $0x5FFFF  }
0xad: {  	[dreg:$0x1] =	wrdreg $0xFFFFFFFF  }
0xae: {  	[dreg:$0x0] =	wrdreg $0x60  }
0xaf: {  	[dreg:$0x2] =	wrdreg s2  }
0xb0: {  	[dreg:$0x3] =	wrdreg s18  }
0xb1: {  	[dreg:$0x4] =	wrdreg s24  }
0xb2: {  	[dreg:$0x5] =	wrdreg $0xC5800  }
0xb3: {  	[dreg:$0x6] =	wrdreg $0x9  }
0xb4: {  	_ =	task.clear_ibuf [dreg:s8], $0x7FFFF;
	_ =	strace $0x90000046  }
0xb5: {  	s29 =	simm.s32 $0x9;
	_ =	strace $0x80000048  }
0xb6: {  	_ =	swait.ge [sflag:s29], $0x1  }
0xb7: {  	[sflag:s29] =	ssyncadd.s32 $0xFFFFFFFF  }
0xb8: {  	_ =	strace $0x90000048  }
0xb9: {  	_ =	sfence  }
0xba: {  	s30 =	sld [smem:$0x0];
	_ =	sdelay $0x2  }
0xbb: {  	s31 =	sshll.u32 s1, $0xD;
	s1 =	sshrl.u32 s1, $0x2  }
0xbc: {  	s3 =	sand.u32 $0x4000, s31;
	s1 =	sadd.s32 s1, s30  }
0xbd: {  	s0 =	sor.u32 s3, s0;
	s1 =	sshll.u32 s1, $0x11  }
0xbe: {  	s0 =	sor.u32 s1, s0  }
0xbf: {  	s0 =	sadd.s32 $0x8F2B, s0  }
0xc0: {  	[sflag:s0] =	ssyncadd.remote.s32 $0x1  }
0xc1: {  	_ =	sfence.sel $0xFFFF  }
0xc2: {  	[dreg:$0x0] =	wrdreg $0xFFFFFFFF;
	(pc) =	sbr.abs _section_cstart, $3  }
0xc3: {  	[dreg:$0x1] =	wrdreg $0xFFFFFFFF  }
0xc4: {  	_ =	task.clear_ibuf [dreg:s8], $0x2FFFF;
	_ =	strace $0x9FFFFFFF  }
0xc5: {  	(tm) =	ssettm $0x7FFFFFFF  }
tec
execute0_lowered:
.L_overlay_start_1:
0x0: {  	(tag) =	ssettag $0x1  }
0x1: {  	s6 =	rddreg [dreg:$0x0]  }
0x2: {  	s7 =	rddreg [dreg:$0x1]  }
0x3: {  	s4 =	rddreg [dreg:$0x2]  }
0x4: {  	s1 =	rddreg [dreg:$0x3]  }
0x5: {  	s0 =	rddreg [dreg:$0x4];
	s2 =	simm.s32 $0x0  }
0x6: {  	s3 =	srdreg.scid;
	s12 =	simm.s32 $0x9E00;
	s13 =	simm.s32 $0x2700  }
0x7: {  	s14 =	simm.s32 $0x7500;
	[smem:$0x7FF] =	sst s2;
	s5 =	sand.u32 $0x1, s3  }
0x8: {  	s15 =	simm.s32 $0x0;
	s3 =	stileid.u32;
	s8 =	smul.u32 $0x27100, s5  }
0x9: {  	_ =	strace $0x80000047;
	s9 =	sshll.u32 s5, $0x4;
	s10 =	smul.u32 $0x2700, s3  }
0xa: {  	s23 =	ssub.s32 $0x2, s5;
	p0 =	sgt.u32 s3, $0x1;
	s9 =	sadd.s32 s9, s4  }
0xb: {  	s11 =	sshrl.u32 s23, $0x1;
	p1 =	sne.s32 @!p0 s3, $0x0;
	s24 =	sshrl.u32 s8, $0x7  }
0xc: {  	s8 =	sadd.s32 s10, s8;
	s25 =	ssub.s32 s23, s11;
	s10 =	simm.s32 $0x1  }
.Ltmp0:
0xd: {  	s11 =	simm.s32 $0x4E00;
	p1 =	por p0, p1;
	(pc) =	sbr.rel .LBB2_1-.Ltmp0, $4  }
0xe: {  	s5 =	sadd.s32 s3, s24;
	s26 =	sshrl.u32 s8, $0x2;
	s29 =	sshrl.u32 s8, $0x3  }
0xf: {  	s8 =	sadd.s32 $0x1E00, s9;
	s9 =	smax.u32 s25, $0x1;
	s28 =	sadd.s32 $0x4E0, s5  }
0x10: {  	s4 =	sadd.s32 s6, s26;
	s30 =	sshll.u32 s28, $0x5;
	s31 =	sshll.u32 s28, $0x4  }
0x11: {  	v0 =	vimm.f32 $0.0e+00;
	s5 =	sadd.s32 s7, s29;
	s6 =	sadd.s32 s6, s30;
	s7 =	sadd.s32 s7, s31  }
.LBB2_9:
0x12: {  	p3 =	por @!p0 $0x0, $0x0;
	p2 =	por $0x0, $0x0  }
0x13: {  	p2 =	por @!p0 p3, p3  }
.LBB2_7:
0x14: {  	[bflag:$0x0] =	sbarrier.arrive $0xFFFF  }
0x15: {  	[spmem:s1] =	stream.indirect.scatter.add.f32 [tilespmem:s11], [sflag:$0x1], $0x1, s14, s13, $0xb8;
	[tilespmem:$0xC7F8] =	vst v63  }
0x16: {  	_ =	swait.ge [sflag:s10], $0x2700  }
0x17: {  	s18 =	simm.s32 @!p0 $0x80;
	[sflag:s10] =	ssyncset.done $0x0  }
0x18: {  	s19 =	simm.s32 @!p0 $0x9D80;
	s15 =	sadd.s32 $0x1, s15;
	[sflag:s10] =	ssyncadd.s32 $0xFFFFD900  }
0x19: {  	[spmem:s1] =	stream.indirect.scatter.add.f32 @!p0 [tilespmem:s17], [sflag:$0x1], $0x1, s19, s18, $0xb8;
	[tilespmem:$0xC7F8] =	vst v63  }
0x1a: {  	s20 =	simm.s32 @p2 $0x10;
	p3 =	sne.s32 s15, s9;
	_ =	swait.ge @!p0 [sflag:s16], $0x80  }
0x1b: {  	s17 =	sshrl.u32 @p2 s1, $0x3;
	s18 =	simm.s32 @p2 $0x1;
	[sflag:s16] =	ssyncset.done @!p0 $0x0  }
0x1c: {  	s19 =	simm.s32 @p2 $0x20;
	[sflag:s16] =	ssyncadd.s32 @!p0 $0xFFFFFF80;
	s16 =	sshll.u32 @p2 s3, $0x6  }
.Ltmp1:
0x1d: {  	[bflag:$0x0] =	sbarrier.arrive $0xFFFF;
	s16 =	sor.u32 @p2 $0x1C01, s16;
	(pc) =	sbr.rel @!p3 .LBB2_8-.Ltmp1, $4  }
0x1e: {  	[hbm:s8@s19], [sflag:s16] =	dma.strided @p2 [spmem:s17@s20], $0x4F0, s18, $0x10   }
0x1f: {  	_ =	swait.ge @p2 [sflag:s18], $0x4F0  }
0x20: {  	[sflag:s18] =	ssyncset.done @p2 $0x0  }
0x21: {  	[sflag:s18] =	ssyncadd.s32 @p2 $0xFFFFFB10  }
.LBB2_1:
0x22: {  	[tilespmem:s2], [sflag:$0x1] =	stream.linear.gather [hbm4b:s4+s2], $0x4E00, $0x38;
	[tilespmem:$0xC7F8] =	vst v63  }
0x23: {  	_ =	swait.ge [sflag:s10], $0x4E00  }
0x24: {  	[sflag:s10] =	ssyncset.done $0x0  }
0x25: {  	[sflag:s10] =	ssyncadd.s32 $0xFFFFB200  }
0x26: {  	[tilespmem:s11], [sflag:$0x1] =	stream.linear.gather [hbm4b:s5+s2], $0x2700, $0x38;
	[tilespmem:$0xC7F8] =	vst v63  }
0x27: {  	_ =	swait.ge [sflag:s10], $0x2700  }
0x28: {  	[sflag:s10] =	ssyncset.done $0x0  }
0x29: {  	s18 =	simm.s32 $0xF0;
	[sflag:s10] =	ssyncadd.s32 $0xFFFFD900  }
0x2a: {  	v4 =	vld [tilespmem:s18+$0x0]  }
0x2b: {  	v5 =	vld [tilespmem:s18+$0xFFFFFFA0]  }
0x2c: {  	v6 =	vld [tilespmem:s18+$0xFFFFFFB0]  }
0x2d: {  	v1 =	vld [tilespmem:s18+$0xFFFFFFC0]  }
0x2e: {  	s16 =	simm.s32 $0x7540;
	v2 =	vld [tilespmem:s18+$0xFFFFFFD0]  }
0x2f: {  	v3 =	vld [tilespmem:s18+$0xFFFFFFE0];
	[tilespmem:s16+$0x30] =	vst v4  }
0x30: {  	[tilespmem:s16+$0xFFFFFFD0] =	vst v5;
	v4 =	vld [tilespmem:s18+$0xFFFFFFF0]  }
0x31: {  	s17 =	simm.s32 $0x0;
	v5 =	vld [tilespmem:s18+$0xFFFFFF90];
	[tilespmem:s16+$0xFFFFFFE0] =	vst v6;
	s18 =	simm.s32 $0x1F0  }
.LBB2_2:
0x32: {  	v6 =	vld [tilespmem:s18+$0x0];
	s17 =	sadd.s32 $0x80, s17;
	[tilespmem:s16+$0xFFFFFFF0] =	vst v1  }
0x33: {  	v7 =	vld [tilespmem:s18+$0xFFFFFFA0];
	p2 =	slt.u32 s17, $0x2680;
	[tilespmem:s16+$0x0] =	vst v2  }
0x34: {  	v8 =	vld [tilespmem:s18+$0xFFFFFFB0];
	[tilespmem:s16+$0x10] =	vst v3  }
.Ltmp2:
0x35: {  	v1 =	vld [tilespmem:s18+$0xFFFFFFC0];
	[tilespmem:s16+$0x20] =	vst v4;
	(pc) =	sbr.rel @p2 .LBB2_2-.Ltmp2, $4  }
0x36: {  	v2 =	vld [tilespmem:s18+$0xFFFFFFD0];
	[tilespmem:s16+$0xFFFFFFC0] =	vst v5;
	s16 =	sadd.s32 $0x80, s16  }
0x37: {  	v3 =	vld [tilespmem:s18+$0xFFFFFFE0];
	[tilespmem:s16+$0x30] =	vst v6  }
0x38: {  	[tilespmem:s16+$0xFFFFFFD0] =	vst v7;
	v4 =	vld [tilespmem:s18+$0xFFFFFFF0]  }
0x39: {  	v5 =	vld [tilespmem:s18+$0xFFFFFF90];
	[tilespmem:s16+$0xFFFFFFE0] =	vst v8;
	s18 =	sadd.s32 $0x100, s18  }
0x3a: {  	[tilespmem:s16+$0xFFFFFFF0] =	vst v1  }
0x3b: {  	[tilespmem:s16+$0x0] =	vst v2  }
0x3c: {  	[tilespmem:s16+$0x10] =	vst v3  }
0x3d: {  	[tilespmem:s16+$0x20] =	vst v4  }
0x3e: {  	s18 =	simm.s32 @!p0 $0x0;
	[tilespmem:s16+$0xFFFFFFC0] =	vst v5;
	s16 =	simm.s32 @!p0 $0x9C00  }
0x3f: {  	[tilespmem:s16], [sflag:$0x1] =	stream.linear.gather @!p0 [hbm4b:s6+s18], $0x100, $0x38;
	[tilespmem:$0xC7F8] =	vst v63  }
0x40: {  	s16 =	simm.s32 @!p0 $0x1  }
0x41: {  	_ =	swait.ge @!p0 [sflag:s16], $0x100  }
0x42: {  	[sflag:s16] =	ssyncset.done @!p0 $0x0  }
0x43: {  	s17 =	simm.s32 @!p0 $0x9D00;
	[sflag:s16] =	ssyncadd.s32 @!p0 $0xFFFFFF00  }
0x44: {  	[tilespmem:s17], [sflag:$0x1] =	stream.linear.gather @!p0 [hbm4b:s7+s18], $0x80, $0x38;
	[tilespmem:$0xC7F8] =	vst v63  }
0x45: {  	_ =	swait.ge @!p0 [sflag:s16], $0x80  }
0x46: {  	[sflag:s16] =	ssyncset.done @!p0 $0x0  }
0x47: {  	[sflag:s16] =	ssyncadd.s32 @!p0 $0xFFFFFF80  }
0x48: {  	v1 =	vld @!p0 [tilespmem:$0x9C80]  }
0x49: {  	v2 =	vld @!p0 [tilespmem:$0x9C90]  }
0x4a: {  	v3 =	vld @!p0 [tilespmem:$0x9CA0]  }
0x4b: {  	v4 =	vld @!p0 [tilespmem:$0x9CB0]  }
0x4c: {  	v5 =	vld @!p0 [tilespmem:$0x9CC0]  }
0x4d: {  	[tilespmem:$0x9D80] =	vst @!p0 v1;
	v1 =	vld @!p0 [tilespmem:$0x9CD0]  }
0x4e: {  	[tilespmem:$0x9D90] =	vst @!p0 v2;
	v2 =	vld @!p0 [tilespmem:$0x9CE0]  }
0x4f: {  	[tilespmem:$0x9DA0] =	vst @!p0 v3;
	v3 =	vld @!p0 [tilespmem:$0x9CF0]  }
.Ltmp3:
0x50: {  	[tilespmem:$0x9DB0] =	vst @!p0 v4;
	(pc) =	sbr.rel @p1 .LBB2_9-.Ltmp3, $4  }
0x51: {  	[tilespmem:$0x9DC0] =	vst @!p0 v5  }
0x52: {  	[tilespmem:$0x9DD0] =	vst @!p0 v1  }
0x53: {  	[tilespmem:$0x9DE0] =	vst @!p0 v2  }
0x54: {  	[tilespmem:$0x9DF0] =	vst @!p0 v3  }
0x55: {  	s18 =	simm.s32 @!p0 $0x9E40  }
0x56: {  	[tilespmem:s18+$0xFFFFFFC0] =	vst v0  }
0x57: {  	[tilespmem:s18+$0x30] =	vst v0  }
0x58: {  	[tilespmem:s18+$0x20] =	vst v0  }
0x59: {  	[tilespmem:s18+$0x10] =	vst v0  }
0x5a: {  	[tilespmem:s18+$0x0] =	vst v0  }
0x5b: {  	[tilespmem:s18+$0xFFFFFFF0] =	vst v0  }
0x5c: {  	s19 =	simm.s32 $0x0;
	[tilespmem:s18+$0xFFFFFFE0] =	vst v0  }
.LBB2_5:
0x5d: {  	s19 =	sadd.s32 $0x80, s19;
	[tilespmem:s18+$0xFFFFFFD0] =	vst v0;
	s18 =	sadd.s32 $0x80, s18  }
0x5e: {  	[tilespmem:s18+$0xFFFFFFC0] =	vst v0;
	p2 =	slt.u32 s19, $0x2680  }
0x5f: {  	[tilespmem:s18+$0x30] =	vst v0  }
.Ltmp4:
0x60: {  	[tilespmem:s18+$0x20] =	vst v0;
	(pc) =	sbr.rel @p2 .LBB2_5-.Ltmp4, $4  }
0x61: {  	[tilespmem:s18+$0x10] =	vst v0  }
0x62: {  	[tilespmem:s18+$0x0] =	vst v0  }
0x63: {  	[tilespmem:s18+$0xFFFFFFF0] =	vst v0  }
0x64: {  	[tilespmem:s18+$0xFFFFFFE0] =	vst v0  }
0x65: {  	[tilespmem:s18+$0xFFFFFFD0] =	vst v0  }
.Ltmp5:
0x66: {  	[tilespmem:$0xC500] =	vst v0;
	(pc) =	sbr.rel .LBB2_7-.Ltmp5, $4  }
0x67: {  	[spmem:s1] =	stream.linear.scatter [tilespmem:s12], [sflag:$0x1], $0x2780, $0x38;
	[tilespmem:$0xC7F8] =	vst v63  }
0x68: {  	_ =	swait.ge [sflag:s10], $0x2780  }
0x69: {  	[sflag:s10] =	ssyncset.done $0x0  }
0x6a: {  	p2 =	por $0x1, $0x1;
	[sflag:s10] =	ssyncadd.s32 $0xFFFFD880  }
.LBB2_8:
0x6b: {  	_ =	sfence.sel $0x180000  }
0x6c: {  	[bflag:$0x0] =	sbarrier.arrive $0xFFFF  }
0x6d: {  	p0 =	sne.s32 s3, $0x0;
	_ =	strace $0x90000047  }
0x6e: {  	s0 =	sadd.s32 @!p0 $0x100000, s0;
	[bflag:$0x2] =	sbarrier.arrive $0xFFFF  }
0x6f: {  	[sflag:s0] =	ssyncadd.tile.s32 @!p0 $0x1;
	_ =	shalt  }
.Lfunc_end2:
_tile_overlayer_lowered:
.L_overlay_start_2:
0x70: {  	(tag) =	ssettag $0x2  }
0x71: {  	s0 =	rddreg [dreg:$0x0];
	s2 =	stileid.u32  }
0x72: {  	s1 =	rddreg [dreg:$0x1];
	p0 =	sne.s32 s2, $0x0  }
0x73: {  	s3 =	rddreg [dreg:$0x2];
	[bflag:$0x3] =	sbarrier.arrive $0xFFFF;
	s2 =	simm.s32 @!p0 $0x1C01  }
0x74: {  	[timem:s3], [sflag:s2] =	dma.local @!p0 [hbm:s0], s1  }
0x75: {  	s0 =	simm.s32 @!p0 $0x1  }
0x76: {  	_ =	swait.ge @!p0 [sflag:s0], s1  }
0x77: {  	s1 =	ssub.s32 @!p0 $0x0, s1;
	[sflag:s0] =	ssyncset.done @!p0 $0x0  }
0x78: {  	[sflag:s0] =	ssyncadd.s32 @!p0 s1  }
0x79: {  	[bflag:$0x3] =	sbarrier.arrive $0xFFFF  }
0x7a: {  	_ =	shalt  }

// kernel: kernel.9.cloned.1.call-start
scs
__scs_entry_jumppad:
0x0: {  	(pc) =	sbr.rel $0x88, $3  }
0x1: {  	(tag) =	ssettag $0x0;
	lr =	simm.s32 $0x1  }
0x2: {  	[smem:$0x3F96] =	sst lr;
	_ =	strace $0xD0000000  }
0x3: {  	_ = 	snop  }
0x4: {  	_ = 	snop  }
0x5: {  	_ = 	snop  }
0x6: {  	_ = 	snop  }
0x7: {  	_ = 	snop  }
__scs_overlays_trampoline_lowered:
0x8: {  	[smem:$0x3FA5] =	sst s0  }
0x9: {  	[smem:$0x3FA6] =	sst s1  }
0xa: {  	[smem:$0x3FA7] =	sst s2  }
0xb: {  	[smem:$0x3FA8] =	sst s3  }
0xc: {  	[smem:$0x3FA9] =	sst s4  }
0xd: {  	[smem:$0x3FAA] =	sst s5  }
0xe: {  	[smem:$0x3FAB] =	sst s6  }
0xf: {  	[smem:$0x3FAC] =	sst s7  }
0x10: {  	[smem:$0x3FAD] =	sst s8  }
0x11: {  	[smem:$0x3FAE] =	sst s9;
	s0 =	simm.s32 @!p0 $0x0  }
0x12: {  	s1 =	sld [smem:$0x3F94];
	s0 =	simm.s32 @p0 $0x1  }
0x13: {  	[smem:$0x3FAF] =	sst s0;
	s0 =	simm.s32 @!p1 $0x0  }
0x14: {  	s2 =	sld [smem:$0x3F93];
	s0 =	simm.s32 @p1 $0x1  }
0x15: {  	[smem:$0x3FB0] =	sst s0;
	s0 =	simm.s32 @!p2 $0x0  }
0x16: {  	s3 =	sld [smem:$0x3FDB];
	s0 =	simm.s32 @p2 $0x1  }
0x17: {  	s4 =	simm.s32 $0x1BF5;
	[smem:$0x3FB2] =	sst s0  }
0x18: {  	s0 =	sld [smem:$0x3F95];
	_ =	swait.ge [sflag:s4], $0x0  }
0x19: {  	s7 =	sld [smem:$0x3F96]  }
0x1a: {  	s8 =	sadd.s32 $0xFFFFE003, lr  }
0x1b: {  	s9 =	sadd.s32 $0xFFFFFEF7, lr;
	s5 =	simm.s32 $0xFFFFFFFF;
	p2 =	slt.u32 s8, $0xFFFFF086  }
0x1c: {  	p1 =	slt.u32 s9, $0xF7A;
	s5 =	simm.s32 @!p2 $0x0  }
0x1d: {  	s5 =	simm.s32 @p1 $0x1;
	p0 =	seq.s32 s7, s2  }
0x1e: {  	s7 =	smul.u32 @!p0 $0xF7A, s2;
	p2 =	seq.s32 @!p0 s5, $0x0  }
0x1f: {  	s9 =	smul.u32 $0xF7A, s1;
	s8 =	simm.s32 @!p0 $0x1BF5;
	p2 =	por !p2, p0  }
0x20: {  	[sflag:s8] =	ssyncset.s32 @!p0 $0xFFFFF086;
	s6 =	sadd.s32 @!p0 s3, s7;
	s7 =	simm.s32 @!p0 $0x108  }
0x21: {  	s3 =	sadd.s32 s3, s9;
	s6 =	sadd.s32 @!p0 $0x88, s6;
	s7 =	simm.s32 @p2 $0x1082  }
0x22: {  	[simem:s7], [sflag:s8] =	dma.local @!p0 [hbm:s6], $0xF7A  }
0x23: {  	s9 =	sor.u32 $0xD0000000, s2;
	s6 =	simm.s32 $0x108;
	_ =	swait.ge @!p0 [sflag:s8], $0x0  }
0x24: {  	s3 =	sadd.s32 $0x88, s3;
	s6 =	simm.s32 @!p1 $0x1082;
	[sflag:s4] =	ssyncset.s32 $0xFFFFF086  }
0x25: {  	[simem:s6], [sflag:s4] =	dma.local [hbm:s3], $0xF7A  }
0x26: {  	[smem:$0x3F96] =	sst s1;
	(tag) =	ssettag s2;
	_ =	strace s9  }
0x27: {  	s1 =	sld [smem:$0x3FA6]  }
0x28: {  	s2 =	sld [smem:$0x3FA7]  }
0x29: {  	s4 =	sld [smem:$0x3FA9]  }
0x2a: {  	p0 =	seq.s32 s5, $0x0;
	s5 =	sld [smem:$0x3FAA]  }
0x2b: {  	s6 =	sld [smem:$0x3FAB]  }
0x2c: {  	s7 =	sld [smem:$0x3FAC]  }
0x2d: {  	s3 =	simm.s32 $0x108;
	s8 =	sld [smem:$0x3FAD]  }
0x2e: {  	s3 =	simm.s32 @!p0 $0x1082;
	s9 =	sld [smem:$0x3FAE]  }
0x2f: {  	lr =	sadd.s32 s0, s3;
	s0 =	sld [smem:$0x3FA5]  }
0x30: {  	s3 =	sld [smem:$0x3FA8]  }
0x31: {  	[smem:$0x3FB1] =	sst s10  }
0x32: {  	s10 =	sld [smem:$0x3FAF];
	_ =	sdelay $0x3  }
0x33: {  	p0 =	seq.s32 s10, $0x1;
	s10 =	sld [smem:$0x3FB1];
	_ =	sdelay $0x3  }
0x34: {  	[smem:$0x3FB1] =	sst s10  }
0x35: {  	s10 =	sld [smem:$0x3FB0];
	_ =	sdelay $0x3  }
0x36: {  	p1 =	seq.s32 s10, $0x1;
	s10 =	sld [smem:$0x3FB1];
	_ =	sdelay $0x3  }
0x37: {  	[smem:$0x3FB1] =	sst s10  }
0x38: {  	s10 =	sld [smem:$0x3FB2]  }
0x39: {  	_ = 	snop;
	(pc) =	sbr.ind lr, $3  }
0x3a: {  	_ = 	snop  }
0x3b: {  	_ = 	snop  }
0x3c: {  	p2 =	seq.s32 s10, $0x1;
	s10 =	sld [smem:$0x3FB1]  }
0x3d: {  	_ =	shalt  }
0x3e: {  	_ =	shalt  }
0x3f: {  	_ =	shalt  }
0x40: {  	_ =	shalt  }
0x41: {  	_ =	shalt  }
0x42: {  	_ =	shalt  }
0x43: {  	_ =	shalt  }
0x44: {  	_ =	shalt  }
0x45: {  	_ =	shalt  }
0x46: {  	_ =	shalt  }
0x47: {  	_ =	shalt  }
0x48: {  	_ =	shalt  }
0x49: {  	_ =	shalt  }
0x4a: {  	_ =	shalt  }
0x4b: {  	_ =	shalt  }
0x4c: {  	_ =	shalt  }
0x4d: {  	_ =	shalt  }
0x4e: {  	_ =	shalt  }
0x4f: {  	_ =	shalt  }
0x50: {  	_ =	shalt  }
0x51: {  	_ =	shalt  }
0x52: {  	_ =	shalt  }
0x53: {  	_ =	shalt  }
0x54: {  	_ =	shalt  }
0x55: {  	_ =	shalt  }
0x56: {  	_ =	shalt  }
0x57: {  	_ =	shalt  }
0x58: {  	_ =	shalt  }
0x59: {  	_ =	shalt  }
0x5a: {  	_ =	shalt  }
0x5b: {  	_ =	shalt  }
0x5c: {  	_ =	shalt  }
0x5d: {  	_ =	shalt  }
0x5e: {  	_ =	shalt  }
0x5f: {  	_ =	shalt  }
0x60: {  	_ =	shalt  }
0x61: {  	_ =	shalt  }
0x62: {  	_ =	shalt  }
0x63: {  	_ =	shalt  }
0x64: {  	_ =	shalt  }
0x65: {  	_ =	shalt  }
0x66: {  	_ =	shalt  }
0x67: {  	_ =	shalt  }
0x68: {  	_ =	shalt  }
0x69: {  	_ =	shalt  }
0x6a: {  	_ =	shalt  }
0x6b: {  	_ =	shalt  }
0x6c: {  	_ =	shalt  }
0x6d: {  	_ =	shalt  }
0x6e: {  	_ =	shalt  }
0x6f: {  	_ =	shalt  }
0x70: {  	_ =	shalt  }
0x71: {  	_ =	shalt  }
0x72: {  	_ =	shalt  }
0x73: {  	_ =	shalt  }
0x74: {  	_ =	shalt  }
0x75: {  	_ =	shalt  }
0x76: {  	_ =	shalt  }
0x77: {  	_ =	shalt  }
0x78: {  	_ =	shalt  }
0x79: {  	_ =	shalt  }
0x7a: {  	_ =	shalt  }
0x7b: {  	_ =	shalt  }
0x7c: {  	_ =	shalt  }
0x7d: {  	_ =	shalt  }
0x7e: {  	_ =	shalt  }
0x7f: {  	_ =	shalt  }
0x80: {  	_ =	shalt  }
0x81: {  	_ =	shalt  }
0x82: {  	_ =	shalt  }
0x83: {  	_ =	shalt  }
0x84: {  	_ =	shalt  }
0x85: {  	_ =	shalt  }
0x86: {  	_ =	shalt  }
0x87: {  	_ =	shalt  }
.Lfunc_end0:
.L_simem_size_0:
called_computation.1_lowered:
.L_overlay_start_0:
0x88: {  	s2 =	sld [smem:$0x3FD9]  }
0x89: {  	s3 =	sld [smem:$0x3FFE];
	_ =	sdelay $0x1  }
0x8a: {  	s1 =	srdreg.scid  }
0x8b: {  	s0 =	sand.u32 $0x1, s1  }
0x8c: {  	s17 =	sshll.u32 s0, $0xA;
	s2 =	sadd.s32 s3, s2  }
0x8d: {  	s2 =	sadd.s32 s2, s17  }
0x8e: {  	[smem:$0x3FBD] =	sst s2  }
0x8f: {  	_ = 	snop  }
0x90: {  	s2 =	sld [smem:$0x3FC6]  }
0x91: {  	s18 =	sld [smem:$0x3FC5];
	(tm) =	ssettm $0x1  }
0x92: {  	s4 =	sld [smem:$0x3FFB];
	_ =	sdelay $0x3  }
0x93: {  	_ =	strace s4  }
0x94: {  	s4 =	sld [smem:$0x3FFC];
	_ =	sdelay $0x3  }
0x95: {  	_ =	strace s4  }
0x96: {  	s4 =	sld [smem:$0x3FFD];
	_ =	sdelay $0x3  }
0x97: {  	_ =	strace s4  }
0x98: {  	_ =	strace $0x8FFFFFFF  }
0x99: {  	s19 =	sld [smem:$0x3FDB];
	_ =	sdelay $0x1  }
0x9a: {  	s5 =	simm.s32 $_scs_section_size  }
0x9b: {  	s6 =	simm.s32 $_size__tile_overlayer_lowered;
	s7 =	simm.s32 $_tile_overlayer_lowered  }
0x9c: {  	s22 =	simm.s32 $0x1BFF;
	s21 =	sshll.u32 s7, $0x1;
	s4 =	sadd.s32 s5, s19  }
0x9d: {  	s8 =	simm.s32 $0x0;
	s20 =	sshll.u32 s6, $0x1;
	s6 =	sadd.s32 s21, s4  }
0x9e: {  	[timem:s8], [sflag:s22] =	dma.local [hbm:s6], s20  }
0x9f: {  	_ =	swait.ge [sflag:s22], s20  }
0xa0: {  	s5 =	ssub.s32 $0x0, s20;
	[sflag:s22] =	ssyncset.done $0x0  }
0xa1: {  	[sflag:s22] =	ssyncadd.s32 s5;
	_ =	sdelay $0x1  }
0xa2: {  	s23 =	simm.s32 $0x1B8B  }
0xa3: {  	_ =	swait.ge [sflag:s23], $0x1  }
0xa4: {  	[sflag:s23] =	ssyncset.done $0x0  }
0xa5: {  	s25 =	simm.s32 $0x1B8E;
	s24 =	sld [smem:$0x3FFE];
	[sflag:s23] =	ssyncadd.s32 $0xFFFFFFFF  }
0xa6: {  	s26 =	simm.s32 $execute0_lowered;
	[smem:$0x3FD2] =	sst s25  }
0xa7: {  	s6 =	sshll.u32 s26, $0x1;
	_ =	strace $0x80000049;
	[dreg:$0x1] =	wrdreg $0xFFFFFFFF  }
0xa8: {  	s28 =	simm.s32 $_size_execute0_lowered;
	s4 =	sadd.s32 s4, s6;
	[dreg:$0x0] =	wrdreg $0x0  }
0xa9: {  	s6 =	sshll.u32 s28, $0x1;
	[dreg:$0x2] =	wrdreg s4  }
0xaa: {  	[dreg:$0x3] =	wrdreg s6  }
0xab: {  	[dreg:$0x4] =	wrdreg $0xC0  }
0xac: {  	_ =	task [dreg:s8], $0x5FFFF  }
0xad: {  	[dreg:$0x1] =	wrdreg $0xFFFFFFFF  }
0xae: {  	[dreg:$0x0] =	wrdreg $0x60  }
0xaf: {  	[dreg:$0x2] =	wrdreg s2  }
0xb0: {  	[dreg:$0x3] =	wrdreg s18  }
0xb1: {  	[dreg:$0x4] =	wrdreg s24  }
0xb2: {  	[dreg:$0x5] =	wrdreg $0x9  }
0xb3: {  	_ =	task.clear_ibuf [dreg:s8], $0x6FFFF;
	_ =	strace $0x90000049  }
0xb4: {  	s29 =	simm.s32 $0x9;
	_ =	strace $0x8000004B  }
0xb5: {  	_ =	swait.ge [sflag:s29], $0x1  }
0xb6: {  	[sflag:s29] =	ssyncadd.s32 $0xFFFFFFFF  }
0xb7: {  	_ =	strace $0x9000004B  }
0xb8: {  	_ =	sfence  }
0xb9: {  	s30 =	sld [smem:$0x0];
	_ =	sdelay $0x2  }
0xba: {  	s31 =	sshll.u32 s1, $0xD;
	s1 =	sshrl.u32 s1, $0x2  }
0xbb: {  	s3 =	sand.u32 $0x4000, s31;
	s1 =	sadd.s32 s1, s30  }
0xbc: {  	s0 =	sor.u32 s3, s0;
	s1 =	sshll.u32 s1, $0x11  }
0xbd: {  	s0 =	sor.u32 s1, s0  }
0xbe: {  	s0 =	sadd.s32 $0x8F2B, s0  }
0xbf: {  	[sflag:s0] =	ssyncadd.remote.s32 $0x1  }
0xc0: {  	_ =	sfence.sel $0xFFFF  }
0xc1: {  	[dreg:$0x0] =	wrdreg $0xFFFFFFFF;
	(pc) =	sbr.abs _section_cstart, $3  }
0xc2: {  	[dreg:$0x1] =	wrdreg $0xFFFFFFFF  }
0xc3: {  	_ =	task.clear_ibuf [dreg:s8], $0x2FFFF;
	_ =	strace $0x9FFFFFFF  }
0xc4: {  	(tm) =	ssettm $0x7FFFFFFF  }
0xc5: {  	_ =	shalt  }
tec
execute0_lowered:
.L_overlay_start_1:
0x0: {  	(tag) =	ssettag $0x1  }
0x1: {  	s7 =	rddreg [dreg:$0x0]  }
0x2: {  	s8 =	rddreg [dreg:$0x1]  }
0x3: {  	s5 =	rddreg [dreg:$0x2];
	s1 =	simm.s32 $0x0;
	s4 =	srdreg.scid  }
0x4: {  	s0 =	stileid.u32;
	[smem:$0x7FF] =	sst s1  }
0x5: {  	s3 =	sadd.s32 $0x1E00, s5;
	s17 =	sand.u32 $0x1, s4;
	s10 =	smul.u32 $0x1380, s0  }
0x6: {  	s4 =	sadd.s32 $0x2400, s5;
	s6 =	sshll.u32 s0, $0x5;
	s26 =	smul.u32 $0x9C0, s0  }
0x7: {  	s28 =	sor.u32 $0x9C0, s0;
	s18 =	smul.u32 $0xA00, s0;
	p0 =	sgt.u32 s0, $0x3  }
0x8: {  	_ =	strace $0x8000004A;
	s9 =	sshll.u32 s17, $0x4;
	s24 =	ssub.s32 $0x2, s17  }
0x9: {  	s29 =	sshll.u32 s28, $0x5;
	s19 =	smul.u32 $0x500, s17;
	s6 =	sor.u32 s9, s6  }
0xa: {  	s25 =	sshrl.u32 s24, $0x1;
	s9 =	sshll.u32 s28, $0x4;
	s11 =	sadd.s32 s6, s5  }
0xb: {  	s12 =	ssub.s32 s24, s25;
	s5 =	sadd.s32 s7, s10;
	s6 =	sadd.s32 s8, s26  }
0xc: {  	s7 =	sadd.s32 s7, s29;
	s8 =	sadd.s32 s8, s9;
	s9 =	sshll.u32 s17, $0x6  }
0xd: {  	s18 =	sadd.s32 s19, s18;
	s10 =	sadd.s32 $0x2A00, s11;
	s11 =	smax.u32 s12, $0x1  }
0xe: {  	s12 =	smul.u32 $0x13800, s17;
	s13 =	sor.u32 $0x10, s9;
	s14 =	sor.u32 $0x20, s9  }
0xf: {  	s15 =	sor.u32 $0x30, s9;
	s17 =	smul.u32 $0x9C00, s17;
	s18 =	sor.u32 $0x80, s18  }
0x10: {  	s30 =	sshrl.u32 s18, $0x2;
	s16 =	sor.u32 $0x380, s12;
	s20 =	sor.u32 $0x240, s12  }
0x11: {  	s21 =	sor.u32 $0x280, s12;
	s22 =	sor.u32 $0x2C0, s12;
	s24 =	sor.u32 $0x300, s12  }
0x12: {  	s17 =	sshrl.u32 s17, $0x2;
	s25 =	sor.u32 $0x340, s12;
	s18 =	sadd.s32 $0xEB80, s30  }
0x13: {  	s19 =	sadd.s32 $0x11380, s30;
	s23 =	sand.u32 $0x1F800, s16;
	s17 =	sadd.s32 $0x9C40, s17  }
0x14: {  	s26 =	sshrl.u32 s20, $0x2;
	s28 =	sshrl.u32 s21, $0x2;
	s20 =	simm.s32 $0x1  }
0x15: {  	s22 =	sshrl.u32 s22, $0x2;
	s24 =	sshrl.u32 s24, $0x2;
	s21 =	simm.s32 $0x9C00;
	v0 =	vmov s26  }
0x16: {  	v4 =	vimm.f32 $0.0e+00;
	s25 =	sshrl.u32 s25, $0x2;
	v1 =	vmov s28;
	v2 =	vmov s22;
	s22 =	simm.s32 $0xEB80;
	s31 =	sshrl.u32 s23, $0x2  }
0x17: {  	v3 =	vmov s24;
	s23 =	simm.s32 $0x11380;
	v5 =	vmov s25;
	s24 =	simm.s32 $0x13B80;
	s25 =	simm.s32 $0x0;
	v6 =	vmov s31  }
.LBB2_1:
0x18: {  	[tilespmem:s1], [sflag:$0x1] =	stream.linear.gather [hbm4b:s5+s1], $0x9C00, $0x38;
	[tilespmem:$0x13C00] =	vst v63  }
0x19: {  	_ =	swait.ge [sflag:s20], $0x9C00  }
0x1a: {  	[sflag:s20] =	ssyncset.done $0x0  }
0x1b: {  	[sflag:s20] =	ssyncadd.s32 $0xFFFF6400  }
0x1c: {  	[tilespmem:s21], [sflag:$0x1] =	stream.linear.gather [hbm4b:s6+s1], $0x4E00, $0x38;
	[tilespmem:$0x13C00] =	vst v63  }
0x1d: {  	_ =	swait.ge [sflag:s20], $0x4E00  }
0x1e: {  	[sflag:s20] =	ssyncset.done $0x0  }
0x1f: {  	[sflag:s20] =	ssyncadd.s32 $0xFFFFB200  }
0x20: {  	[tilespmem:s22], [sflag:$0x1] =	stream.linear.gather [hbm4b:s3+s1], $0x2800, $0x38;
	[tilespmem:$0x13C00] =	vst v63  }
0x21: {  	_ =	swait.ge [sflag:s20], $0x2800  }
0x22: {  	[sflag:s20] =	ssyncset.done $0x0  }
0x23: {  	[sflag:s20] =	ssyncadd.s32 $0xFFFFD800  }
0x24: {  	[tilespmem:s23], [sflag:$0x1] =	stream.linear.gather [hbm4b:s4+s1], $0x2800, $0x38;
	[tilespmem:$0x13C00] =	vst v63  }
0x25: {  	_ =	swait.ge [sflag:s20], $0x2800  }
0x26: {  	[sflag:s20] =	ssyncset.done $0x0  }
0x27: {  	s26 =	simm.s32 @!p0 $0x0;
	s28 =	simm.s32 @!p0 $0xEA00;
	[sflag:s20] =	ssyncadd.s32 $0xFFFFD800  }
0x28: {  	[tilespmem:s28], [sflag:$0x1] =	stream.linear.gather @!p0 [hbm4b:s7+s26], $0x100, $0x38;
	[tilespmem:$0x13C00] =	vst v63  }
0x29: {  	s28 =	simm.s32 @!p0 $0x1  }
0x2a: {  	_ =	swait.ge @!p0 [sflag:s28], $0x100  }
0x2b: {  	[sflag:s28] =	ssyncset.done @!p0 $0x0  }
0x2c: {  	s29 =	simm.s32 @!p0 $0xEB00;
	[sflag:s28] =	ssyncadd.s32 @!p0 $0xFFFFFF00  }
0x2d: {  	[tilespmem:s29], [sflag:$0x1] =	stream.linear.gather @!p0 [hbm4b:s8+s26], $0x80, $0x38;
	[tilespmem:$0x13C00] =	vst v63  }
0x2e: {  	_ =	swait.ge @!p0 [sflag:s28], $0x80  }
0x2f: {  	[sflag:s28] =	ssyncset.done @!p0 $0x0  }
0x30: {  	s26 =	simm.s32 $0xF0;
	s29 =	sshrl.u32 s12, $0x2;
	[sflag:s28] =	ssyncadd.s32 @!p0 $0xFFFFFF80  }
0x31: {  	s31 =	sadd.s32 $0xF0, s29;
	v7 =	vld.idx.msk [tilespmem:v0+s26+$0xFFFFFE90 ss:$0x1], $0xffff  }
0x32: {  	v9 =	vld [tilespmem:s31+$0xFFFFFF10]  }
0x33: {  	v11 =	vld.idx.msk [tilespmem:v1+s26+$0xFFFFFE90 ss:$0x1], $0xffff  }
0x34: {  	v12 =	vld.idx.msk [tilespmem:v2+s26+$0xFFFFFE90 ss:$0x1], $0xffff  }
0x35: {  	v13 =	vld.idx.msk [tilespmem:v3+s26+$0xFFFFFE90 ss:$0x1], $0xffff  }
0x36: {  	v14 =	vld.idx.msk [tilespmem:v5+s26+$0xFFFFFE90 ss:$0x1], $0xffff  }
0x37: {  	v15 =	vld.idx.msk [tilespmem:v6+s26+$0xFFFFFF80 ss:$0x1], $0xffff  }
0x38: {  	v16 =	vld [tilespmem:s17+$0x20]  }
0x39: {  	v17 =	vld [tilespmem:s31+$0xFFFFFF90]  }
0x3a: {  	v18 =	vld.idx.msk [tilespmem:v0+s26+$0xFFFFFF10 ss:$0x1], $0xffff  }
0x3b: {  	v24 =	vld.idx.msk [tilespmem:v1+s26+$0xFFFFFF10 ss:$0x1], $0xffff  }
0x3c: {  	v27 =	vld.idx.msk [tilespmem:v2+s26+$0xFFFFFF10 ss:$0x1], $0xffff  }
0x3d: {  	v29 =	vld.idx.msk [tilespmem:v3+s26+$0xFFFFFF10 ss:$0x1], $0xffff  }
0x3e: {  	v19 =	vld [tilespmem:s17+$0xFFFFFFC0]  }
0x3f: {  	v20 =	vld [tilespmem:s17+$0xFFFFFFD0]  }
0x40: {  	v22 =	vld [tilespmem:s17+$0xFFFFFFE0]  }
0x41: {  	v26 =	vld [tilespmem:s17+$0xFFFFFFF0]  }
0x42: {  	s28 =	sshrl.u32 s16, $0x2;
	v31 =	vld [tilespmem:s17+$0x0]  }
0x43: {  	s30 =	sadd.s32 $0xF0, s28;
	v32 =	vld [tilespmem:s17+$0x10]  }
0x44: {  	v8 =	vld [tilespmem:s30+$0xFFFFFE90]  }
0x45: {  	v33 =	vld [tilespmem:s17+$0x30]  }
0x46: {  	v10 =	vld [tilespmem:s30+$0xFFFFFF10]  }
0x47: {  	v9 =	vld.idx.msk [tilespmem:v9+s22+$0x0], $0xffff  }
0x48: {  	v7 =	vld.idx.msk [tilespmem:v7+s22+$0x0], $0xffff  }
0x49: {  	v11 =	vld.idx.msk [tilespmem:v11+s22+$0x0], $0xffff  }
0x4a: {  	v12 =	vld.idx.msk [tilespmem:v12+s22+$0x0], $0xffff  }
0x4b: {  	v13 =	vld.idx.msk [tilespmem:v13+s22+$0x0], $0xffff  }
0x4c: {  	v8 =	vld.idx.msk [tilespmem:v8+s22+$0x0], $0xffff  }
0x4d: {  	v14 =	vld.idx.msk [tilespmem:v14+s22+$0x0], $0xffff  }
0x4e: {  	v30 =	vld.idx.msk [tilespmem:v15+s22+$0x0], $0xffff  }
0x4f: {  	v15 =	vld.idx.msk [tilespmem:v5+s26+$0xFFFFFF10 ss:$0x1], $0xffff  }
0x50: {  	v10 =	vld.idx.msk [tilespmem:v10+s23+$0x0], $0xffff  }
0x51: {  	v23 =	vmul.f32 v9, v19;
	v8 =	vmul.f32 v8, v16;
	v16 =	vld.idx.msk [tilespmem:v6+s26+$0x0 ss:$0x1], $0xffff  }
0x52: {  	v21 =	vmul.f32 v7, v20;
	v22 =	vmul.f32 v11, v22  }
0x53: {  	v28 =	vld.idx.msk [tilespmem:v17+s23+$0x0], $0xffff;
	v20 =	vmul.f32 v12, v26;
	v19 =	vmul.f32 v13, v31  }
0x54: {  	v25 =	vld.idx.msk [tilespmem:v18+s23+$0x0], $0xffff;
	v18 =	vmul.f32 v14, v32;
	v17 =	vmul.f32 v30, v33  }
0x55: {  	v26 =	vld.idx.msk [tilespmem:v24+s23+$0x0], $0xffff;
	v13 =	vimm.f32 $0.0e+00;
	v14 =	vimm.f32 $0.0e+00;
	v8 =	vmul.f32 v10, v8  }
0x56: {  	v24 =	vld.idx.msk [tilespmem:v27+s23+$0x0], $0xffff;
	v12 =	vimm.f32 $0.0e+00;
	v11 =	vimm.f32 $0.0e+00;
	v9 =	vimm.f32 $0.0e+00  }
0x57: {  	s31 =	smov.u32 s17;
	s30 =	simm.s32 $0x0;
	v27 =	vld.idx.msk [tilespmem:v29+s23+$0x0], $0xffff;
	v10 =	vimm.f32 $0.0e+00;
	v7 =	vadd.f32 v8, v4;
	v8 =	vimm.f32 $0.0e+00  }
.LBB2_2:
0x58: {  	v15 =	vld.idx.msk [tilespmem:v15+s23+$0x0], $0xffff  }
0x59: {  	s30 =	sadd.s32 $0x80, s30;
	v23 =	vmul.f32 v28, v23;
	s26 =	sadd.s32 $0x100, s26;
	v16 =	vld.idx.msk [tilespmem:v16+s23+$0x0], $0xffff  }
0x5a: {  	s0 =	sadd.s32 s29, s26;
	s2 =	sadd.s32 s28, s26;
	p1 =	slt.u32 s30, $0x2680;
	v21 =	vmul.f32 v25, v21;
	v28 =	vld.idx.msk [tilespmem:v0+s26+$0xFFFFFE90 ss:$0x1], $0xffff  }
0x5b: {  	v13 =	vadd.f32 v23, v13;
	v22 =	vmul.f32 v26, v22;
	v25 =	vld [tilespmem:s2+$0xFFFFFE90]  }
0x5c: {  	v14 =	vadd.f32 v21, v14;
	v20 =	vmul.f32 v24, v20;
	v23 =	vld [tilespmem:s0+$0xFFFFFF10]  }
0x5d: {  	v12 =	vadd.f32 v22, v12;
	v19 =	vmul.f32 v27, v19;
	v21 =	vld [tilespmem:s2+$0xFFFFFF10]  }
0x5e: {  	v11 =	vadd.f32 v20, v11;
	v15 =	vmul.f32 v15, v18;
	v22 =	vld.idx.msk [tilespmem:v1+s26+$0xFFFFFE90 ss:$0x1], $0xffff  }
0x5f: {  	v10 =	vadd.f32 v19, v10;
	v16 =	vmul.f32 v16, v17;
	v18 =	vld.idx.msk [tilespmem:v2+s26+$0xFFFFFE90 ss:$0x1], $0xffff  }
0x60: {  	v8 =	vadd.f32 v15, v8;
	v17 =	vld.idx.msk [tilespmem:v3+s26+$0xFFFFFE90 ss:$0x1], $0xffff  }
0x61: {  	v9 =	vadd.f32 v16, v9;
	v19 =	vld.idx.msk [tilespmem:v5+s26+$0xFFFFFE90 ss:$0x1], $0xffff  }
0x62: {  	v20 =	vld.idx.msk [tilespmem:v6+s26+$0xFFFFFF80 ss:$0x1], $0xffff  }
0x63: {  	s31 =	sadd.s32 $0x80, s31;
	v15 =	vld.idx.msk [tilespmem:v25+s22+$0x0], $0xffff  }
0x64: {  	v16 =	vld [tilespmem:s31+$0x20]  }
0x65: {  	v21 =	vld.idx.msk [tilespmem:v21+s23+$0x0], $0xffff  }
0x66: {  	v24 =	vld [tilespmem:s0+$0xFFFFFF90]  }
0x67: {  	v25 =	vld.idx.msk [tilespmem:v0+s26+$0xFFFFFF10 ss:$0x1], $0xffff  }
0x68: {  	v26 =	vld.idx.msk [tilespmem:v1+s26+$0xFFFFFF10 ss:$0x1], $0xffff  }
0x69: {  	v27 =	vld.idx.msk [tilespmem:v2+s26+$0xFFFFFF10 ss:$0x1], $0xffff;
	v16 =	vmul.f32 v15, v16  }
0x6a: {  	v29 =	vld.idx.msk [tilespmem:v3+s26+$0xFFFFFF10 ss:$0x1], $0xffff  }
0x6b: {  	v15 =	vld.idx.msk [tilespmem:v5+s26+$0xFFFFFF10 ss:$0x1], $0xffff;
	v21 =	vmul.f32 v21, v16  }
0x6c: {  	v16 =	vld.idx.msk [tilespmem:v6+s26+$0x0 ss:$0x1], $0xffff  }
0x6d: {  	v23 =	vld.idx.msk [tilespmem:v23+s22+$0x0], $0xffff;
	v7 =	vadd.f32 v21, v7  }
0x6e: {  	v21 =	vld.idx.msk [tilespmem:v28+s22+$0x0], $0xffff  }
0x6f: {  	v22 =	vld.idx.msk [tilespmem:v22+s22+$0x0], $0xffff  }
0x70: {  	v18 =	vld.idx.msk [tilespmem:v18+s22+$0x0], $0xffff  }
0x71: {  	v17 =	vld.idx.msk [tilespmem:v17+s22+$0x0], $0xffff  }
0x72: {  	v30 =	vld.idx.msk [tilespmem:v19+s22+$0x0], $0xffff  }
0x73: {  	v31 =	vld.idx.msk [tilespmem:v20+s22+$0x0], $0xffff  }
0x74: {  	v19 =	vld [tilespmem:s31+$0xFFFFFFC0]  }
0x75: {  	v20 =	vld [tilespmem:s31+$0xFFFFFFD0]  }
0x76: {  	v32 =	vld [tilespmem:s31+$0xFFFFFFE0]  }
0x77: {  	v33 =	vld [tilespmem:s31+$0xFFFFFFF0]  }
0x78: {  	v34 =	vld [tilespmem:s31+$0x0]  }
0x79: {  	v23 =	vmul.f32 v23, v19;
	v35 =	vld [tilespmem:s31+$0x10]  }
0x7a: {  	v21 =	vmul.f32 v21, v20;
	v36 =	vld [tilespmem:s31+$0x30]  }
.Ltmp0:
0x7b: {  	v28 =	vld.idx.msk [tilespmem:v24+s23+$0x0], $0xffff;
	v22 =	vmul.f32 v22, v32;
	(pc) =	sbr.rel @p1 .LBB2_2-.Ltmp0, $4  }
0x7c: {  	v25 =	vld.idx.msk [tilespmem:v25+s23+$0x0], $0xffff;
	v20 =	vmul.f32 v18, v33  }
0x7d: {  	v26 =	vld.idx.msk [tilespmem:v26+s23+$0x0], $0xffff;
	v19 =	vmul.f32 v17, v34  }
0x7e: {  	v24 =	vld.idx.msk [tilespmem:v27+s23+$0x0], $0xffff;
	v18 =	vmul.f32 v30, v35  }
0x7f: {  	v27 =	vld.idx.msk [tilespmem:v29+s23+$0x0], $0xffff;
	v17 =	vmul.f32 v31, v36  }
0x80: {  	_ =	sdelay $0x1  }
0x81: {  	v29 =	vld @!p0 [tilespmem:s9+$0xEA00]  }
0x82: {  	v30 =	vld @!p0 [tilespmem:s9+$0xEA80]  }
0x83: {  	v15 =	vld.idx.msk [tilespmem:v15+s23+$0x0], $0xffff  }
0x84: {  	v16 =	vld.idx.msk [tilespmem:v16+s23+$0x0], $0xffff  }
0x85: {  	v31 =	vld @!p0 [tilespmem:s9+$0xEB00]  }
0x86: {  	v32 =	vld @!p0 [tilespmem:s13+$0xEA00]  }
0x87: {  	v33 =	vld @!p0 [tilespmem:s13+$0xEA80]  }
0x88: {  	v34 =	vld @!p0 [tilespmem:s14+$0xEA00]  }
0x89: {  	v35 =	vld @!p0 [tilespmem:s14+$0xEA80]  }
0x8a: {  	v36 =	vld @!p0 [tilespmem:s13+$0xEB00]  }
0x8b: {  	v37 =	vld @!p0 [tilespmem:s15+$0xEA00]  }
0x8c: {  	v38 =	vld @!p0 [tilespmem:s15+$0xEA80];
	v23 =	vmul.f32 v28, v23  }
0x8d: {  	v21 =	vmul.f32 v25, v21;
	v25 =	vld @!p0 [tilespmem:s14+$0xEB00]  }
0x8e: {  	s0 =	simm.s32 @!p0 $0xEB80;
	v13 =	vadd.f32 v23, v13;
	v23 =	vld @!p0 [tilespmem:s15+$0xEB00]  }
0x8f: {  	s2 =	simm.s32 @!p0 $0x11380;
	v29 =	vld.idx.msk @!p0 [tilespmem:v29+s0+$0x0], $0xffff  }
0x90: {  	v30 =	vld.idx.msk @!p0 [tilespmem:v30+s2+$0x0], $0xffff  }
0x91: {  	v32 =	vld.idx.msk @!p0 [tilespmem:v32+s0+$0x0], $0xffff  }
0x92: {  	v22 =	vmul.f32 v26, v22;
	v33 =	vld.idx.msk @!p0 [tilespmem:v33+s2+$0x0], $0xffff  }
0x93: {  	v14 =	vadd.f32 v21, v14;
	v20 =	vmul.f32 v24, v20;
	v26 =	vld.idx.msk @!p0 [tilespmem:v34+s0+$0x0], $0xffff  }
0x94: {  	v12 =	vadd.f32 v22, v12;
	v19 =	vmul.f32 v27, v19;
	v21 =	vld.idx.msk @!p0 [tilespmem:v35+s2+$0x0], $0xffff;
	v22 =	vmul.f32 @!p0 v29, v31  }
0x95: {  	v11 =	vadd.f32 v20, v11;
	v15 =	vmul.f32 v15, v18;
	v16 =	vmul.f32 v16, v17;
	v17 =	vld.idx.msk @!p0 [tilespmem:v37+s0+$0x0], $0xffff  }
0x96: {  	v10 =	vadd.f32 v19, v10;
	v19 =	vmul.f32 @!p0 v32, v36;
	v18 =	vmul.f32 @!p0 v30, v22  }
0x97: {  	v8 =	vadd.f32 v15, v8;
	v9 =	vadd.f32 v16, v9;
	v15 =	vld.idx.msk @!p0 [tilespmem:v38+s2+$0x0], $0xffff  }
0x98: {  	v16 =	vadd.f32 @!p0 $0.0e+00, v18;
	v18 =	vmul.f32 @!p0 v33, v19;
	v19 =	vmul.f32 @!p0 v26, v25  }
0x99: {  	v13 =	vadd.f32 v14, v13;
	v14 =	vld [tilespmem:s18+$0xFFFFFFE0];
	v11 =	vadd.f32 v11, v12  }
0x9a: {  	v17 =	vmul.f32 @!p0 v17, v23;
	v12 =	vadd.f32 @!p0 v18, v16;
	v16 =	vmul.f32 @!p0 v21, v19;
	v18 =	vld [tilespmem:s19+$0xFFFFFFE0]  }
0x9b: {  	v8 =	vadd.f32 v8, v10;
	v7 =	vadd.f32 v9, v7;
	v9 =	vld [tilespmem:s18+$0xFFFFFFF0]  }
0x9c: {  	v15 =	vmul.f32 @!p0 v15, v17;
	v16 =	vadd.f32 @!p0 v16, v12;
	v12 =	vld [tilespmem:s19+$0xFFFFFFF0]  }
0x9d: {  	v11 =	vadd.f32 v11, v13;
	v10 =	vld [tilespmem:s18+$0x0];
	v7 =	vadd.f32 v7, v8  }
0x9e: {  	v13 =	vld [tilespmem:s19+$0x0];
	v8 =	vadd.f32 @!p0 v15, v16  }
0x9f: {  	v7 =	vadd.f32 v7, v11;
	v11 =	vld [tilespmem:s18+$0x10];
	v16 =	vmul.f32 v18, v14  }
0xa0: {  	s26 =	simm.s32 $0x0;
	s28 =	sadd.s32 $0x40, s18;
	s29 =	smov.u32 s19;
	v15 =	vimm.f32 $0.0e+00;
	v14 =	vld [tilespmem:s19+$0x10];
	v8 =	vpsel p0, $0x0, v8  }
.LBB2_4:
0xa1: {  	v17 =	vld [tilespmem:s28+$0xFFFFFFE0];
	v15 =	vadd.f32 v16, v15;
	v12 =	vmul.f32 v12, v9;
	s29 =	sadd.s32 $0x40, s29  }
0xa2: {  	s26 =	sadd.s32 $0x40, s26;
	v16 =	vld [tilespmem:s29+$0xFFFFFFE0]  }
0xa3: {  	p1 =	slt.u32 s26, $0x100;
	v9 =	vld [tilespmem:s28+$0xFFFFFFF0];
	v15 =	vadd.f32 v12, v15;
	v13 =	vmul.f32 v13, v10  }
.Ltmp1:
0xa4: {  	v12 =	vld [tilespmem:s29+$0xFFFFFFF0];
	(pc) =	sbr.rel @p1 .LBB2_4-.Ltmp1, $4  }
0xa5: {  	v10 =	vld [tilespmem:s28+$0x0];
	v15 =	vadd.f32 v13, v15;
	v14 =	vmul.f32 v14, v11  }
0xa6: {  	v13 =	vld [tilespmem:s29+$0x0]  }
0xa7: {  	v16 =	vmul.f32 v16, v17;
	v11 =	vld [tilespmem:s28+$0x10];
	v15 =	vadd.f32 v14, v15  }
0xa8: {  	s28 =	sadd.s32 $0x40, s28;
	v14 =	vld [tilespmem:s29+$0x10]  }
0xa9: {  	v15 =	vadd.f32 v16, v15;
	v9 =	vmul.f32 v12, v9;
	_ =	sdelay $0x1  }
0xaa: {  	v9 =	vadd.f32 v9, v15;
	v10 =	vmul.f32 v13, v10;
	_ =	sdelay $0x1  }
0xab: {  	v9 =	vadd.f32 v10, v9;
	v63 =	vmul.f32 v14, v11;
	_ =	sdelay $0x1  }
0xac: {  	v9 =	vadd.f32 v63, v9;
	_ =	sdelay $0x1  }
0xad: {  	v8 =	vadd.f32 v9, v8;
	_ =	sdelay $0x1  }
0xae: {  	s25 =	sadd.s32 $0x1, s25;
	v7 =	vadd.f32 v8, v7  }
0xaf: {  	p1 =	sne.s32 s25, s11  }
.Ltmp2:
0xb0: {  	[tilespmem:$0x13B80] =	vst v7;
	(pc) =	sbr.rel @p1 .LBB2_1-.Ltmp2, $4  }
0xb1: {  	[hbm4b:s10+s1] =	stream.linear.scatter [tilespmem:s24], [sflag:$0x1], $0x80, $0x38;
	[tilespmem:$0x13C00] =	vst v63  }
0xb2: {  	_ =	swait.ge [sflag:s20], $0x80  }
0xb3: {  	[sflag:s20] =	ssyncset.done $0x0  }
0xb4: {  	[sflag:s20] =	ssyncadd.s32 $0xFFFFFF80  }
0xb5: {  	_ =	sfence.sel $0x180000  }
0xb6: {  	[bflag:$0x0] =	sbarrier.arrive $0xFFFF  }
0xb7: {  	_ =	strace $0x9000004A  }
0xb8: {  	s0 =	stileid.u32;
	[bflag:$0x2] =	sbarrier.arrive $0xFFFF  }
0xb9: {  	p0 =	sne.s32 s0, $0x0;
	s0 =	rddreg [dreg:$0x3]  }
0xba: {  	s0 =	sadd.s32 @!p0 $0x100000, s0  }
0xbb: {  	[sflag:s0] =	ssyncadd.tile.s32 @!p0 $0x1;
	_ =	shalt  }
.Lfunc_end2:
_tile_overlayer_lowered:
.L_overlay_start_2:
0xbc: {  	(tag) =	ssettag $0x2  }
0xbd: {  	s0 =	rddreg [dreg:$0x0];
	s2 =	stileid.u32  }
0xbe: {  	s1 =	rddreg [dreg:$0x1];
	p0 =	sne.s32 s2, $0x0  }
0xbf: {  	s3 =	rddreg [dreg:$0x2];
	[bflag:$0x3] =	sbarrier.arrive $0xFFFF;
	s2 =	simm.s32 @!p0 $0x1C01  }
0xc0: {  	[timem:s3], [sflag:s2] =	dma.local @!p0 [hbm:s0], s1  }
0xc1: {  	s0 =	simm.s32 @!p0 $0x1  }
0xc2: {  	_ =	swait.ge @!p0 [sflag:s0], s1  }
0xc3: {  	s1 =	ssub.s32 @!p0 $0x0, s1;
	[sflag:s0] =	ssyncset.done @!p0 $0x0  }
0xc4: {  	[sflag:s0] =	ssyncadd.s32 @!p0 s1  }
0xc5: {  	[bflag:$0x3] =	sbarrier.arrive $0xFFFF  }
0xc6: {  	_ =	shalt  }

</sc_bundles>
